<compile_context>
chip_gen: v7x
topology: tpu7x:2x2x1
jax: 0.10.2.dev20260603
libtpu: 0.0.44.dev20260713+nightly
codegen_flags: <defaults>
</compile_context>

<pallas_src>
import dataclasses
import functools

import jax
import jax.numpy as jnp
from jax import lax
from jax.experimental import pallas as pl
from jax.experimental.pallas import tpu as pltpu
from jax.experimental.pallas import tpu_sc as plsc

N_NODES = 10000
N_EDGES = 320000
DIM = 128
HALF = DIM // 2
NC = 2
NS = 16
NW = NC * NS
N_PAD = 10240
ROWS_PER_TILE = N_PAD // NS
CHUNK = 128
EPW = N_EDGES // NW
CHUNKS = 80
EPW_PAD = CHUNKS * CHUNK
PAD_E = EPW_PAD - EPW

_mesh = plsc.VectorSubcoreMesh(
    core_axis_name="c", subcore_axis_name="s", num_cores=NC, num_subcores=NS)

_sc_params = pltpu.CompilerParams()
if "needs_layout_passes" in pltpu.CompilerParams.__dataclass_fields__:
    _sc_params = dataclasses.replace(_sc_params, needs_layout_passes=False)
if "use_tc_tiling_on_sc" in pltpu.CompilerParams.__dataclass_fields__:
    _sc_params = dataclasses.replace(_sc_params, use_tc_tiling_on_sc=False)



@functools.partial(
    pl.kernel,
    out_type=(
        jax.ShapeDtypeStruct((NW, N_PAD), jnp.float32),
        jax.ShapeDtypeStruct((NW, N_PAD), jnp.float32),
    ),
    mesh=_mesh,
    scratch_types=[
        pltpu.VMEM((CHUNKS, CHUNK), jnp.int32),
        pltpu.VMEM((CHUNKS, CHUNK), jnp.int32),
        pltpu.VMEM((N_PAD,), jnp.float32),
        pltpu.VMEM((N_PAD,), jnp.float32),
    ],
    compiler_params=_sc_params,
)
def _sc_degrees(idx_hbm, od_hbm, id_hbm, sidx_v, didx_v, od_v, id_v):
    c = lax.axis_index("c")
    s = lax.axis_index("s")
    wid = c * NS + s
    pltpu.sync_copy(idx_hbm.at[0, pl.ds(wid * CHUNKS, CHUNKS)], sidx_v)
    pltpu.sync_copy(idx_hbm.at[1, pl.ds(wid * CHUNKS, CHUNKS)], didx_v)
    zero16 = jnp.zeros((16,), jnp.float32)

    @pl.loop(0, N_PAD // 64)
    def _(i):
        for k in range(4):
            od_v[pl.ds(i * 64 + k * 16, 16)] = zero16
            id_v[pl.ds(i * 64 + k * 16, 16)] = zero16

    ones = jnp.ones((16,), jnp.float32)

    @pl.loop(0, CHUNKS)
    def _(r):
        for k in range(CHUNK // 16):
            plsc.addupdate_scatter(od_v, [sidx_v[r, pl.ds(k * 16, 16)]], ones)
            plsc.addupdate_scatter(id_v, [didx_v[r, pl.ds(k * 16, 16)]], ones)

    pltpu.sync_copy(od_v, od_hbm.at[wid])
    pltpu.sync_copy(id_v, id_hbm.at[wid])



NBUF = 5
CHUNKS2 = NW * CHUNKS // NS


@functools.partial(
    pl.kernel,
    out_type=jax.ShapeDtypeStruct((NC, N_PAD, HALF), jnp.float32),
    mesh=_mesh,
    scratch_types=(
        [pltpu.VMEM((CHUNKS2, CHUNK), jnp.int32)] * 2
        + [pltpu.VMEM((CHUNK, HALF), jnp.float32)] * (NBUF + 1)
        + [pltpu.VMEM_SHARED((N_PAD, HALF), jnp.float32)]
        + [pltpu.SemaphoreType.DMA] * (2 * NBUF)
    ),
    compiler_params=_sc_params,
)
def _sc_aggregate(feat_hbm, idx_hbm, out_hbm, *refs):
    sidx_v, didx_v = refs[0], refs[1]
    bufs = refs[2:2 + NBUF]
    zrows = refs[2 + NBUF]
    agg_sh = refs[3 + NBUF]
    gsem = refs[4 + NBUF:4 + 2 * NBUF]
    ssem = refs[4 + 2 * NBUF:4 + 3 * NBUF]

    c = lax.axis_index("c")
    s = lax.axis_index("s")

    pltpu.sync_copy(idx_hbm.at[0, pl.ds(s * CHUNKS2, CHUNKS2)], sidx_v)
    pltpu.sync_copy(idx_hbm.at[1, pl.ds(s * CHUNKS2, CHUNKS2)], didx_v)

    zero16 = jnp.zeros((16,), jnp.float32)

    @pl.loop(0, CHUNK)
    def _(r):
        for k in range(HALF // 16):
            zrows[r, pl.ds(k * 16, 16)] = zero16

    @pl.loop(0, ROWS_PER_TILE // CHUNK)
    def _(j):
        pltpu.sync_copy(
            zrows, agg_sh.at[pl.ds(s * ROWS_PER_TILE + j * CHUNK, CHUNK)])

    plsc.subcore_barrier()

    fsrc = feat_hbm.at[c]

    for j in range(NBUF):
        pltpu.async_copy(fsrc.at[sidx_v.at[j]], bufs[j], gsem[j])

    @pl.loop(0, CHUNKS2 - NBUF, step=NBUF)
    def _(ch):
        for j in range(NBUF):
            pltpu.make_async_copy(
                fsrc.at[sidx_v.at[ch + j]], bufs[j], gsem[j]).wait()
            pltpu.async_copy(bufs[j], agg_sh.at[didx_v.at[ch + j]],
                             ssem[j], add=True)
        for j in range(NBUF):
            pltpu.make_async_copy(
                bufs[j], agg_sh.at[didx_v.at[ch + j]], ssem[j]).wait()
            pltpu.async_copy(
                fsrc.at[sidx_v.at[ch + NBUF + j]], bufs[j], gsem[j])

    for j in range(NBUF):
        ch = CHUNKS2 - NBUF + j
        pltpu.make_async_copy(
            fsrc.at[sidx_v.at[ch]], bufs[j], gsem[j]).wait()
        pltpu.async_copy(bufs[j], agg_sh.at[didx_v.at[ch]],
                         ssem[j], add=True)
    for j in range(NBUF):
        ch = CHUNKS2 - NBUF + j
        pltpu.make_async_copy(
            bufs[j], agg_sh.at[didx_v.at[ch]], ssem[j]).wait()

    plsc.subcore_barrier()
    pltpu.sync_copy(
        agg_sh.at[pl.ds(s * ROWS_PER_TILE, ROWS_PER_TILE)],
        out_hbm.at[c, pl.ds(s * ROWS_PER_TILE, ROWS_PER_TILE)])



def _tc_feat_body(h_ref, od_ref, o_ref):
    od = jnp.sum(od_ref[...], axis=0)
    norm = lax.rsqrt(jnp.maximum(od, 1.0))
    f = h_ref[...] * norm[:, None]
    o_ref[0] = f[:, :HALF]
    o_ref[1] = f[:, HALF:]


def _tc_feat(h, od_p):
    blk = 1024
    return pl.pallas_call(
        _tc_feat_body,
        grid=(N_PAD // blk,),
        in_specs=[
            pl.BlockSpec((blk, DIM), lambda i: (i, 0)),
            pl.BlockSpec((NW, blk), lambda i: (0, i)),
        ],
        out_specs=pl.BlockSpec((NC, blk, HALF), lambda i: (0, i, 0)),
        out_shape=jax.ShapeDtypeStruct((NC, N_PAD, HALF), jnp.float32),
    )(h, od_p)



def _tc_out_body(agg_ref, id_ref, w_ref, b_ref, o_ref):
    ideg = jnp.sum(id_ref[...], axis=0)
    norm = lax.rsqrt(jnp.maximum(ideg, 1.0))
    a0 = agg_ref[0] * norm[:, None]
    a1 = agg_ref[1] * norm[:, None]
    w = w_ref[...]
    x = (jnp.dot(a0, w[:HALF, :], preferred_element_type=jnp.float32)
         + jnp.dot(a1, w[HALF:, :], preferred_element_type=jnp.float32)
         + b_ref[...])
    m = jnp.max(x, axis=1, keepdims=True)
    sh = x - m
    lse = jnp.log(jnp.sum(jnp.exp(sh), axis=1, keepdims=True))
    o_ref[...] = sh - lse


def _tc_out(agg_p, id_p, W, b2):
    blk = 1024
    return pl.pallas_call(
        _tc_out_body,
        grid=(pl.cdiv(N_NODES, blk),),
        in_specs=[
            pl.BlockSpec((NC, blk, HALF), lambda i: (0, i, 0)),
            pl.BlockSpec((NW, blk), lambda i: (0, i)),
            pl.BlockSpec((DIM, DIM), lambda i: (0, 0)),
            pl.BlockSpec((1, DIM), lambda i: (0, 0)),
        ],
        out_specs=pl.BlockSpec((blk, DIM), lambda i: (i, 0)),
        out_shape=jax.ShapeDtypeStruct((N_NODES, DIM), jnp.float32),
    )(agg_p, id_p, W, b2)



def kernel(h, edge_index, W, b):
    ei3 = edge_index.astype(jnp.int32).reshape(2, N_EDGES // CHUNK, CHUNK)
    pad = N_NODES + (jnp.arange(NW * PAD_E, dtype=jnp.int32) % 16)
    padc = jnp.broadcast_to(
        pad.reshape(1, NW * PAD_E // CHUNK, CHUNK),
        (2, NW * PAD_E // CHUNK, CHUNK))
    idx3 = jnp.concatenate([ei3, padc], axis=1)

    od_p, id_p = _sc_degrees(idx3)

    feat = _tc_feat(h, od_p)

    agg_p = _sc_aggregate(feat, idx3)

    return _tc_out(agg_p, id_p, W, b.reshape(1, DIM))

# --- scband reference (transcript-rebuilt; emitter-appended) ---
"""Pipeline reference for scband-cls-57664230916483 (READ-ONLY COPY).

The authoritative reference and input builder live on the scoring server;
editing this copy changes nothing except your own understanding.
"""

import jax, jax.numpy as jnp
import numpy as np

N_NODES = 10000
N_EDGES = 320000
IN_DIM = 128
OUT_DIM = 128

def setup_inputs(seed: int = 0) -> dict:
    key = jax.random.key(seed)
    k1, k2, k3, k4 = jax.random.split(key, 4)
    h = jax.random.normal(k1, (N_NODES, IN_DIM), dtype=jnp.float32)
    edge_index = jax.random.randint(k2, (2, N_EDGES), 0, N_NODES, dtype=jnp.int64)
    # GraphConv parameters (Glorot init like DGL)
    limit = float(np.sqrt(6.0 / (IN_DIM + OUT_DIM)))
    W = jax.random.uniform(k3, (IN_DIM, OUT_DIM), dtype=jnp.float32, minval=-limit, maxval=limit)
    b = jnp.zeros((OUT_DIM,), dtype=jnp.float32)
    return {"h": h, "edge_index": edge_index, "W": W, "b": b}

def reference(h, edge_index, W, b):
    # DGL GraphConv with norm='both', weight=True, bias=True, followed by log_softmax.
    src = edge_index[0]
    dst = edge_index[1]
    N = h.shape[0]
    ones = jnp.ones((src.shape[0],), dtype=h.dtype)
    out_deg = jnp.zeros((N,), dtype=h.dtype).at[src].add(ones)
    in_deg = jnp.zeros((N,), dtype=h.dtype).at[dst].add(ones)
    out_deg = jnp.clip(out_deg, 1.0, None)
    in_deg = jnp.clip(in_deg, 1.0, None)
    norm_src = out_deg ** (-0.5)
    norm_dst = in_deg ** (-0.5)
    # normalize source features
    feat = h * norm_src[:, None]
    # message passing: gather from src, scatter-add to dst (copy_u + sum)
    msg = jnp.take(feat, src, axis=0)
    agg = jnp.zeros((N, feat.shape[1]), dtype=h.dtype).at[dst].add(msg)
    # normalize by destination in-degree
    agg = agg * norm_dst[:, None]
    # linear transform + bias (in_dim == out_dim -> aggregate first in DGL)
    out = agg @ W + b
    return jax.nn.log_softmax(out, axis=1)

if __name__ == "__main__":
    import jax
    _d = setup_inputs()
    print(jax.jit(kernel)(*tuple(_d.values())))

</pallas_src>

<mosaic_0001>
#map = affine_map<(d0, d1) -> (0, 0, 0)>
#map1 = affine_map<(d0, d1) -> (0, 0)>
module attributes {stable_mosaic.version = 14 : i64} {
  func.func @_sc_degrees(%arg0: i32, %arg1: i32, %arg2: memref<2x2560x128xi32, #tpu.memory_space<hbm>>, %arg3: memref<32x10240xf32, #tpu.memory_space<hbm>>, %arg4: memref<32x10240xf32, #tpu.memory_space<hbm>>, %arg5: memref<80x128xi32, #tpu.memory_space<vmem>>, %arg6: memref<80x128xi32, #tpu.memory_space<vmem>>, %arg7: memref<10240xf32, #tpu.memory_space<vmem>>, %arg8: memref<10240xf32, #tpu.memory_space<vmem>>) attributes {dimension_semantics = [#tpu.dimension_semantics<core_parallel>, #tpu.dimension_semantics<subcore_parallel>], iteration_bounds = array<i64: 2, 16>, scalar_prefetch = 0 : i64, scratch_operands = 4 : i64, tpu.core_type = #tpu.core_type<sc_vector_subcore>, window_params = [{transform_indices = #map}, {transform_indices = #map1}, {transform_indices = #map1}]} {
    %mul3A = arith.constant 16 : i32
    %mul3A_0 = arith.muli %arg0, %mul3A : i32
    %add3A = arith.addi %mul3A_0, %arg1 : i32
    %mul3A_1 = arith.constant 80 : i32
    %mul3A_2 = arith.muli %add3A, %mul3A_1 : i32
    %run_scoped3A = arith.constant 0 : i32
    "tpu.region"() ({
      %run_scoped3A_18 = tpu.sem_alloc : memref<!tpu.dma_semaphore, #tpu.memory_space<semaphore_mem>>
      %dma_start3A = arith.constant 0 : i32
      %dma_start3A_19 = tpu.memref_slice %arg2[%run_scoped3A, %mul3A_2, %dma_start3A] : memref<2x2560x128xi32, #tpu.memory_space<hbm>> -> memref<1x80x128xi32, #tpu.memory_space<hbm>>
      %dma_start3A_20 = tpu.memref_squeeze %dma_start3A_19 : memref<1x80x128xi32, #tpu.memory_space<hbm>> -> memref<80x128xi32, #tpu.memory_space<hbm>>
      %dma_start3A_21 = arith.constant 0 : i32
      %dma_start3A_22 = tpu.memref_slice %arg2[%run_scoped3A, %mul3A_2, %dma_start3A_21] : memref<2x2560x128xi32, #tpu.memory_space<hbm>> -> memref<1x80x128xi32, #tpu.memory_space<hbm>>
      %dma_start3A_23 = tpu.memref_squeeze %dma_start3A_22 : memref<1x80x128xi32, #tpu.memory_space<hbm>> -> memref<80x128xi32, #tpu.memory_space<hbm>>
      tpu.enqueue_dma source(%dma_start3A_23 : memref<80x128xi32, #tpu.memory_space<hbm>>) target(%arg5 : memref<80x128xi32, #tpu.memory_space<vmem>>) target_semaphore(%run_scoped3A_18 : memref<!tpu.dma_semaphore, #tpu.memory_space<semaphore_mem>>)
      %dma_wait3A = arith.constant 0 : i32
      %dma_wait3A_24 = tpu.memref_slice %arg2[%run_scoped3A, %mul3A_2, %dma_wait3A] : memref<2x2560x128xi32, #tpu.memory_space<hbm>> -> memref<1x80x128xi32, #tpu.memory_space<hbm>>
      %dma_wait3A_25 = tpu.memref_squeeze %dma_wait3A_24 : memref<1x80x128xi32, #tpu.memory_space<hbm>> -> memref<80x128xi32, #tpu.memory_space<hbm>>
      %dma_wait3A_26 = arith.constant 0 : i32
      %dma_wait3A_27 = tpu.memref_slice %arg2[%run_scoped3A, %mul3A_2, %dma_wait3A_26] : memref<2x2560x128xi32, #tpu.memory_space<hbm>> -> memref<1x80x128xi32, #tpu.memory_space<hbm>>
      %dma_wait3A_28 = tpu.memref_squeeze %dma_wait3A_27 : memref<1x80x128xi32, #tpu.memory_space<hbm>> -> memref<80x128xi32, #tpu.memory_space<hbm>>
      tpu.wait_dma2 semaphore(%run_scoped3A_18 : memref<!tpu.dma_semaphore, #tpu.memory_space<semaphore_mem>>) src(%dma_wait3A_28 : memref<80x128xi32, #tpu.memory_space<hbm>>) dst(%arg5 : memref<80x128xi32, #tpu.memory_space<vmem>>)
      tpu.yield
    }) : () -> ()
    %mul3A_3 = arith.constant 80 : i32
    %mul3A_4 = arith.muli %add3A, %mul3A_3 : i32
    %run_scoped3A_5 = arith.constant 1 : i32
    "tpu.region"() ({
      %run_scoped3A_18 = tpu.sem_alloc : memref<!tpu.dma_semaphore, #tpu.memory_space<semaphore_mem>>
      %dma_start3A = arith.constant 0 : i32
      %dma_start3A_19 = tpu.memref_slice %arg2[%run_scoped3A_5, %mul3A_4, %dma_start3A] : memref<2x2560x128xi32, #tpu.memory_space<hbm>> -> memref<1x80x128xi32, #tpu.memory_space<hbm>>
      %dma_start3A_20 = tpu.memref_squeeze %dma_start3A_19 : memref<1x80x128xi32, #tpu.memory_space<hbm>> -> memref<80x128xi32, #tpu.memory_space<hbm>>
      %dma_start3A_21 = arith.constant 0 : i32
      %dma_start3A_22 = tpu.memref_slice %arg2[%run_scoped3A_5, %mul3A_4, %dma_start3A_21] : memref<2x2560x128xi32, #tpu.memory_space<hbm>> -> memref<1x80x128xi32, #tpu.memory_space<hbm>>
      %dma_start3A_23 = tpu.memref_squeeze %dma_start3A_22 : memref<1x80x128xi32, #tpu.memory_space<hbm>> -> memref<80x128xi32, #tpu.memory_space<hbm>>
      tpu.enqueue_dma source(%dma_start3A_23 : memref<80x128xi32, #tpu.memory_space<hbm>>) target(%arg6 : memref<80x128xi32, #tpu.memory_space<vmem>>) target_semaphore(%run_scoped3A_18 : memref<!tpu.dma_semaphore, #tpu.memory_space<semaphore_mem>>)
      %dma_wait3A = arith.constant 0 : i32
      %dma_wait3A_24 = tpu.memref_slice %arg2[%run_scoped3A_5, %mul3A_4, %dma_wait3A] : memref<2x2560x128xi32, #tpu.memory_space<hbm>> -> memref<1x80x128xi32, #tpu.memory_space<hbm>>
      %dma_wait3A_25 = tpu.memref_squeeze %dma_wait3A_24 : memref<1x80x128xi32, #tpu.memory_space<hbm>> -> memref<80x128xi32, #tpu.memory_space<hbm>>
      %dma_wait3A_26 = arith.constant 0 : i32
      %dma_wait3A_27 = tpu.memref_slice %arg2[%run_scoped3A_5, %mul3A_4, %dma_wait3A_26] : memref<2x2560x128xi32, #tpu.memory_space<hbm>> -> memref<1x80x128xi32, #tpu.memory_space<hbm>>
      %dma_wait3A_28 = tpu.memref_squeeze %dma_wait3A_27 : memref<1x80x128xi32, #tpu.memory_space<hbm>> -> memref<80x128xi32, #tpu.memory_space<hbm>>
      tpu.wait_dma2 semaphore(%run_scoped3A_18 : memref<!tpu.dma_semaphore, #tpu.memory_space<semaphore_mem>>) src(%dma_wait3A_28 : memref<80x128xi32, #tpu.memory_space<hbm>>) dst(%arg6 : memref<80x128xi32, #tpu.memory_space<vmem>>)
      tpu.yield
    }) : () -> ()
    %broadcast_in_dim3A = arith.constant 0.000000e+00 : f32
    %broadcast_in_dim3A_6 = vector.broadcast %broadcast_in_dim3A : f32 to vector<16xf32>
    %scan3A = arith.constant 0 : i32
    %scan3A_7 = arith.constant 160 : i32
    %scan3A_8 = arith.addi %scan3A, %scan3A_7 : i32
    %scan3A_9 = arith.constant 1 : i32
    scf.for %scan3A_18 = %scan3A to %scan3A_8 step %scan3A_9  : i32 {
      %mul3A_19 = arith.constant 1 : i32
      %mul3A_20 = arith.muli %scan3A_18, %mul3A_19 : i32
      %add3A_21 = arith.constant 0 : i32
      %add3A_22 = arith.addi %add3A_21, %mul3A_20 : i32
      %mul3A_23 = arith.constant 64 : i32
      %mul3A_24 = arith.muli %add3A_22, %mul3A_23 : i32
      %add3A_25 = arith.constant 0 : i32
      %add3A_26 = arith.addi %mul3A_24, %add3A_25 : i32
      %swap3A = arith.index_cast %add3A_26 : i32 to index
      %swap3A_27 = tpu.vector_load %arg7[%swap3A] {strides = array<i32>} : memref<10240xf32, #tpu.memory_space<vmem>>, vector<16xf32>,
      tpu.vector_store %arg7[%swap3A], %broadcast_in_dim3A_6 {strides = array<i32>} : memref<10240xf32, #tpu.memory_space<vmem>>, vector<16xf32>,
      %mul3A_28 = arith.constant 64 : i32
      %mul3A_29 = arith.muli %add3A_22, %mul3A_28 : i32
      %add3A_30 = arith.constant 0 : i32
      %add3A_31 = arith.addi %mul3A_29, %add3A_30 : i32
      %swap3A_32 = arith.index_cast %add3A_31 : i32 to index
      %swap3A_33 = tpu.vector_load %arg8[%swap3A_32] {strides = array<i32>} : memref<10240xf32, #tpu.memory_space<vmem>>, vector<16xf32>,
      tpu.vector_store %arg8[%swap3A_32], %broadcast_in_dim3A_6 {strides = array<i32>} : memref<10240xf32, #tpu.memory_space<vmem>>, vector<16xf32>,
      %mul3A_34 = arith.constant 64 : i32
      %mul3A_35 = arith.muli %add3A_22, %mul3A_34 : i32
      %add3A_36 = arith.constant 16 : i32
      %add3A_37 = arith.addi %mul3A_35, %add3A_36 : i32
      %swap3A_38 = arith.index_cast %add3A_37 : i32 to index
      %swap3A_39 = tpu.vector_load %arg7[%swap3A_38] {strides = array<i32>} : memref<10240xf32, #tpu.memory_space<vmem>>, vector<16xf32>,
      tpu.vector_store %arg7[%swap3A_38], %broadcast_in_dim3A_6 {strides = array<i32>} : memref<10240xf32, #tpu.memory_space<vmem>>, vector<16xf32>,
      %mul3A_40 = arith.constant 64 : i32
      %mul3A_41 = arith.muli %add3A_22, %mul3A_40 : i32
      %add3A_42 = arith.constant 16 : i32
      %add3A_43 = arith.addi %mul3A_41, %add3A_42 : i32
      %swap3A_44 = arith.index_cast %add3A_43 : i32 to index
      %swap3A_45 = tpu.vector_load %arg8[%swap3A_44] {strides = array<i32>} : memref<10240xf32, #tpu.memory_space<vmem>>, vector<16xf32>,
      tpu.vector_store %arg8[%swap3A_44], %broadcast_in_dim3A_6 {strides = array<i32>} : memref<10240xf32, #tpu.memory_space<vmem>>, vector<16xf32>,
      %mul3A_46 = arith.constant 64 : i32
      %mul3A_47 = arith.muli %add3A_22, %mul3A_46 : i32
      %add3A_48 = arith.constant 32 : i32
      %add3A_49 = arith.addi %mul3A_47, %add3A_48 : i32
      %swap3A_50 = arith.index_cast %add3A_49 : i32 to index
      %swap3A_51 = tpu.vector_load %arg7[%swap3A_50] {strides = array<i32>} : memref<10240xf32, #tpu.memory_space<vmem>>, vector<16xf32>,
      tpu.vector_store %arg7[%swap3A_50], %broadcast_in_dim3A_6 {strides = array<i32>} : memref<10240xf32, #tpu.memory_space<vmem>>, vector<16xf32>,
      %mul3A_52 = arith.constant 64 : i32
      %mul3A_53 = arith.muli %add3A_22, %mul3A_52 : i32
      %add3A_54 = arith.constant 32 : i32
      %add3A_55 = arith.addi %mul3A_53, %add3A_54 : i32
      %swap3A_56 = arith.index_cast %add3A_55 : i32 to index
      %swap3A_57 = tpu.vector_load %arg8[%swap3A_56] {strides = array<i32>} : memref<10240xf32, #tpu.memory_space<vmem>>, vector<16xf32>,
      tpu.vector_store %arg8[%swap3A_56], %broadcast_in_dim3A_6 {strides = array<i32>} : memref<10240xf32, #tpu.memory_space<vmem>>, vector<16xf32>,
      %mul3A_58 = arith.constant 64 : i32
      %mul3A_59 = arith.muli %add3A_22, %mul3A_58 : i32
      %add3A_60 = arith.constant 48 : i32
      %add3A_61 = arith.addi %mul3A_59, %add3A_60 : i32
      %swap3A_62 = arith.index_cast %add3A_61 : i32 to index
      %swap3A_63 = tpu.vector_load %arg7[%swap3A_62] {strides = array<i32>} : memref<10240xf32, #tpu.memory_space<vmem>>, vector<16xf32>,
      tpu.vector_store %arg7[%swap3A_62], %broadcast_in_dim3A_6 {strides = array<i32>} : memref<10240xf32, #tpu.memory_space<vmem>>, vector<16xf32>,
      %mul3A_64 = arith.constant 64 : i32
      %mul3A_65 = arith.muli %add3A_22, %mul3A_64 : i32
      %add3A_66 = arith.constant 48 : i32
      %add3A_67 = arith.addi %mul3A_65, %add3A_66 : i32
      %swap3A_68 = arith.index_cast %add3A_67 : i32 to index
      %swap3A_69 = tpu.vector_load %arg8[%swap3A_68] {strides = array<i32>} : memref<10240xf32, #tpu.memory_space<vmem>>, vector<16xf32>,
      tpu.vector_store %arg8[%swap3A_68], %broadcast_in_dim3A_6 {strides = array<i32>} : memref<10240xf32, #tpu.memory_space<vmem>>, vector<16xf32>,
    }
    %scan3A_10 = arith.constant 160 : i32
    %broadcast_in_dim3A_11 = arith.constant 1.000000e+00 : f32
    %broadcast_in_dim3A_12 = vector.broadcast %broadcast_in_dim3A_11 : f32 to vector<16xf32>
    %scan3A_13 = arith.constant 0 : i32
    %scan3A_14 = arith.constant 80 : i32
    %scan3A_15 = arith.addi %scan3A_13, %scan3A_14 : i32
    %scan3A_16 = arith.constant 1 : i32
    scf.for %scan3A_18 = %scan3A_13 to %scan3A_15 step %scan3A_16  : i32 {
      %mul3A_19 = arith.constant 1 : i32
      %mul3A_20 = arith.muli %scan3A_18, %mul3A_19 : i32
      %add3A_21 = arith.constant 0 : i32
      %add3A_22 = arith.addi %add3A_21, %mul3A_20 : i32
      %get3A = arith.index_cast %add3A_22 : i32 to index
      %get3A_23 = arith.constant 0 : index
      %get3A_24 = tpu.vector_load %arg5[%get3A, %get3A_23] {strides = array<i32>} : memref<80x128xi32, #tpu.memory_space<vmem>>, vector<16xi32>,
      tpu.vector_store_idx %arg7[%get3A_24], %broadcast_in_dim3A_12 {add = true} : memref<10240xf32, #tpu.memory_space<vmem>>[vector<16xi32>], vector<16xf32>,
      %get3A_25 = arith.index_cast %add3A_22 : i32 to index
      %get3A_26 = arith.constant 0 : index
      %get3A_27 = tpu.vector_load %arg6[%get3A_25, %get3A_26] {strides = array<i32>} : memref<80x128xi32, #tpu.memory_space<vmem>>, vector<16xi32>,
      tpu.vector_store_idx %arg8[%get3A_27], %broadcast_in_dim3A_12 {add = true} : memref<10240xf32, #tpu.memory_space<vmem>>[vector<16xi32>], vector<16xf32>,
      %get3A_28 = arith.index_cast %add3A_22 : i32 to index
      %get3A_29 = arith.constant 16 : index
      %get3A_30 = tpu.vector_load %arg5[%get3A_28, %get3A_29] {strides = array<i32>} : memref<80x128xi32, #tpu.memory_space<vmem>>, vector<16xi32>,
      tpu.vector_store_idx %arg7[%get3A_30], %broadcast_in_dim3A_12 {add = true} : memref<10240xf32, #tpu.memory_space<vmem>>[vector<16xi32>], vector<16xf32>,
      %get3A_31 = arith.index_cast %add3A_22 : i32 to index
      %get3A_32 = arith.constant 16 : index
      %get3A_33 = tpu.vector_load %arg6[%get3A_31, %get3A_32] {strides = array<i32>} : memref<80x128xi32, #tpu.memory_space<vmem>>, vector<16xi32>,
      tpu.vector_store_idx %arg8[%get3A_33], %broadcast_in_dim3A_12 {add = true} : memref<10240xf32, #tpu.memory_space<vmem>>[vector<16xi32>], vector<16xf32>,
      %get3A_34 = arith.index_cast %add3A_22 : i32 to index
      %get3A_35 = arith.constant 32 : index
      %get3A_36 = tpu.vector_load %arg5[%get3A_34, %get3A_35] {strides = array<i32>} : memref<80x128xi32, #tpu.memory_space<vmem>>, vector<16xi32>,
      tpu.vector_store_idx %arg7[%get3A_36], %broadcast_in_dim3A_12 {add = true} : memref<10240xf32, #tpu.memory_space<vmem>>[vector<16xi32>], vector<16xf32>,
      %get3A_37 = arith.index_cast %add3A_22 : i32 to index
      %get3A_38 = arith.constant 32 : index
      %get3A_39 = tpu.vector_load %arg6[%get3A_37, %get3A_38] {strides = array<i32>} : memref<80x128xi32, #tpu.memory_space<vmem>>, vector<16xi32>,
      tpu.vector_store_idx %arg8[%get3A_39], %broadcast_in_dim3A_12 {add = true} : memref<10240xf32, #tpu.memory_space<vmem>>[vector<16xi32>], vector<16xf32>,
      %get3A_40 = arith.index_cast %add3A_22 : i32 to index
      %get3A_41 = arith.constant 48 : index
      %get3A_42 = tpu.vector_load %arg5[%get3A_40, %get3A_41] {strides = array<i32>} : memref<80x128xi32, #tpu.memory_space<vmem>>, vector<16xi32>,
      tpu.vector_store_idx %arg7[%get3A_42], %broadcast_in_dim3A_12 {add = true} : memref<10240xf32, #tpu.memory_space<vmem>>[vector<16xi32>], vector<16xf32>,
      %get3A_43 = arith.index_cast %add3A_22 : i32 to index
      %get3A_44 = arith.constant 48 : index
      %get3A_45 = tpu.vector_load %arg6[%get3A_43, %get3A_44] {strides = array<i32>} : memref<80x128xi32, #tpu.memory_space<vmem>>, vector<16xi32>,
      tpu.vector_store_idx %arg8[%get3A_45], %broadcast_in_dim3A_12 {add = true} : memref<10240xf32, #tpu.memory_space<vmem>>[vector<16xi32>], vector<16xf32>,
      %get3A_46 = arith.index_cast %add3A_22 : i32 to index
      %get3A_47 = arith.constant 64 : index
      %get3A_48 = tpu.vector_load %arg5[%get3A_46, %get3A_47] {strides = array<i32>} : memref<80x128xi32, #tpu.memory_space<vmem>>, vector<16xi32>,
      tpu.vector_store_idx %arg7[%get3A_48], %broadcast_in_dim3A_12 {add = true} : memref<10240xf32, #tpu.memory_space<vmem>>[vector<16xi32>], vector<16xf32>,
      %get3A_49 = arith.index_cast %add3A_22 : i32 to index
      %get3A_50 = arith.constant 64 : index
      %get3A_51 = tpu.vector_load %arg6[%get3A_49, %get3A_50] {strides = array<i32>} : memref<80x128xi32, #tpu.memory_space<vmem>>, vector<16xi32>,
      tpu.vector_store_idx %arg8[%get3A_51], %broadcast_in_dim3A_12 {add = true} : memref<10240xf32, #tpu.memory_space<vmem>>[vector<16xi32>], vector<16xf32>,
      %get3A_52 = arith.index_cast %add3A_22 : i32 to index
      %get3A_53 = arith.constant 80 : index
      %get3A_54 = tpu.vector_load %arg5[%get3A_52, %get3A_53] {strides = array<i32>} : memref<80x128xi32, #tpu.memory_space<vmem>>, vector<16xi32>,
      tpu.vector_store_idx %arg7[%get3A_54], %broadcast_in_dim3A_12 {add = true} : memref<10240xf32, #tpu.memory_space<vmem>>[vector<16xi32>], vector<16xf32>,
      %get3A_55 = arith.index_cast %add3A_22 : i32 to index
      %get3A_56 = arith.constant 80 : index
      %get3A_57 = tpu.vector_load %arg6[%get3A_55, %get3A_56] {strides = array<i32>} : memref<80x128xi32, #tpu.memory_space<vmem>>, vector<16xi32>,
      tpu.vector_store_idx %arg8[%get3A_57], %broadcast_in_dim3A_12 {add = true} : memref<10240xf32, #tpu.memory_space<vmem>>[vector<16xi32>], vector<16xf32>,
      %get3A_58 = arith.index_cast %add3A_22 : i32 to index
      %get3A_59 = arith.constant 96 : index
      %get3A_60 = tpu.vector_load %arg5[%get3A_58, %get3A_59] {strides = array<i32>} : memref<80x128xi32, #tpu.memory_space<vmem>>, vector<16xi32>,
      tpu.vector_store_idx %arg7[%get3A_60], %broadcast_in_dim3A_12 {add = true} : memref<10240xf32, #tpu.memory_space<vmem>>[vector<16xi32>], vector<16xf32>,
      %get3A_61 = arith.index_cast %add3A_22 : i32 to index
      %get3A_62 = arith.constant 96 : index
      %get3A_63 = tpu.vector_load %arg6[%get3A_61, %get3A_62] {strides = array<i32>} : memref<80x128xi32, #tpu.memory_space<vmem>>, vector<16xi32>,
      tpu.vector_store_idx %arg8[%get3A_63], %broadcast_in_dim3A_12 {add = true} : memref<10240xf32, #tpu.memory_space<vmem>>[vector<16xi32>], vector<16xf32>,
      %get3A_64 = arith.index_cast %add3A_22 : i32 to index
      %get3A_65 = arith.constant 112 : index
      %get3A_66 = tpu.vector_load %arg5[%get3A_64, %get3A_65] {strides = array<i32>} : memref<80x128xi32, #tpu.memory_space<vmem>>, vector<16xi32>,
      tpu.vector_store_idx %arg7[%get3A_66], %broadcast_in_dim3A_12 {add = true} : memref<10240xf32, #tpu.memory_space<vmem>>[vector<16xi32>], vector<16xf32>,
      %get3A_67 = arith.index_cast %add3A_22 : i32 to index
      %get3A_68 = arith.constant 112 : index
      %get3A_69 = tpu.vector_load %arg6[%get3A_67, %get3A_68] {strides = array<i32>} : memref<80x128xi32, #tpu.memory_space<vmem>>, vector<16xi32>,
      tpu.vector_store_idx %arg8[%get3A_69], %broadcast_in_dim3A_12 {add = true} : memref<10240xf32, #tpu.memory_space<vmem>>[vector<16xi32>], vector<16xf32>,
    }
    %scan3A_17 = arith.constant 80 : i32
    "tpu.region"() ({
      %run_scoped3A_18 = tpu.sem_alloc : memref<!tpu.dma_semaphore, #tpu.memory_space<semaphore_mem>>
      %dma_start3A = arith.constant 0 : i32
      %dma_start3A_19 = tpu.memref_slice %arg3[%add3A, %dma_start3A] : memref<32x10240xf32, #tpu.memory_space<hbm>> -> memref<1x10240xf32, #tpu.memory_space<hbm>>
      %dma_start3A_20 = tpu.memref_squeeze %dma_start3A_19 : memref<1x10240xf32, #tpu.memory_space<hbm>> -> memref<10240xf32, #tpu.memory_space<hbm>>
      %dma_start3A_21 = arith.constant 0 : i32
      %dma_start3A_22 = tpu.memref_slice %arg3[%add3A, %dma_start3A_21] : memref<32x10240xf32, #tpu.memory_space<hbm>> -> memref<1x10240xf32, #tpu.memory_space<hbm>>
      %dma_start3A_23 = tpu.memref_squeeze %dma_start3A_22 : memref<1x10240xf32, #tpu.memory_space<hbm>> -> memref<10240xf32, #tpu.memory_space<hbm>>
      tpu.enqueue_dma source(%arg7 : memref<10240xf32, #tpu.memory_space<vmem>>) target(%dma_start3A_23 : memref<10240xf32, #tpu.memory_space<hbm>>) target_semaphore(%run_scoped3A_18 : memref<!tpu.dma_semaphore, #tpu.memory_space<semaphore_mem>>)
      %dma_wait3A = arith.constant 0 : i32
      %dma_wait3A_24 = tpu.memref_slice %arg3[%add3A, %dma_wait3A] : memref<32x10240xf32, #tpu.memory_space<hbm>> -> memref<1x10240xf32, #tpu.memory_space<hbm>>
      %dma_wait3A_25 = tpu.memref_squeeze %dma_wait3A_24 : memref<1x10240xf32, #tpu.memory_space<hbm>> -> memref<10240xf32, #tpu.memory_space<hbm>>
      %dma_wait3A_26 = arith.constant 0 : i32
      %dma_wait3A_27 = tpu.memref_slice %arg3[%add3A, %dma_wait3A_26] : memref<32x10240xf32, #tpu.memory_space<hbm>> -> memref<1x10240xf32, #tpu.memory_space<hbm>>
      %dma_wait3A_28 = tpu.memref_squeeze %dma_wait3A_27 : memref<1x10240xf32, #tpu.memory_space<hbm>> -> memref<10240xf32, #tpu.memory_space<hbm>>
      tpu.wait_dma2 semaphore(%run_scoped3A_18 : memref<!tpu.dma_semaphore, #tpu.memory_space<semaphore_mem>>) src(%arg7 : memref<10240xf32, #tpu.memory_space<vmem>>) dst(%dma_wait3A_28 : memref<10240xf32, #tpu.memory_space<hbm>>)
      tpu.yield
    }) : () -> ()
    "tpu.region"() ({
      %run_scoped3A_18 = tpu.sem_alloc : memref<!tpu.dma_semaphore, #tpu.memory_space<semaphore_mem>>
      %dma_start3A = arith.constant 0 : i32
      %dma_start3A_19 = tpu.memref_slice %arg4[%add3A, %dma_start3A] : memref<32x10240xf32, #tpu.memory_space<hbm>> -> memref<1x10240xf32, #tpu.memory_space<hbm>>
      %dma_start3A_20 = tpu.memref_squeeze %dma_start3A_19 : memref<1x10240xf32, #tpu.memory_space<hbm>> -> memref<10240xf32, #tpu.memory_space<hbm>>
      %dma_start3A_21 = arith.constant 0 : i32
      %dma_start3A_22 = tpu.memref_slice %arg4[%add3A, %dma_start3A_21] : memref<32x10240xf32, #tpu.memory_space<hbm>> -> memref<1x10240xf32, #tpu.memory_space<hbm>>
      %dma_start3A_23 = tpu.memref_squeeze %dma_start3A_22 : memref<1x10240xf32, #tpu.memory_space<hbm>> -> memref<10240xf32, #tpu.memory_space<hbm>>
      tpu.enqueue_dma source(%arg8 : memref<10240xf32, #tpu.memory_space<vmem>>) target(%dma_start3A_23 : memref<10240xf32, #tpu.memory_space<hbm>>) target_semaphore(%run_scoped3A_18 : memref<!tpu.dma_semaphore, #tpu.memory_space<semaphore_mem>>)
      %dma_wait3A = arith.constant 0 : i32
      %dma_wait3A_24 = tpu.memref_slice %arg4[%add3A, %dma_wait3A] : memref<32x10240xf32, #tpu.memory_space<hbm>> -> memref<1x10240xf32, #tpu.memory_space<hbm>>
      %dma_wait3A_25 = tpu.memref_squeeze %dma_wait3A_24 : memref<1x10240xf32, #tpu.memory_space<hbm>> -> memref<10240xf32, #tpu.memory_space<hbm>>
      %dma_wait3A_26 = arith.constant 0 : i32
      %dma_wait3A_27 = tpu.memref_slice %arg4[%add3A, %dma_wait3A_26] : memref<32x10240xf32, #tpu.memory_space<hbm>> -> memref<1x10240xf32, #tpu.memory_space<hbm>>
      %dma_wait3A_28 = tpu.memref_squeeze %dma_wait3A_27 : memref<1x10240xf32, #tpu.memory_space<hbm>> -> memref<10240xf32, #tpu.memory_space<hbm>>
      tpu.wait_dma2 semaphore(%run_scoped3A_18 : memref<!tpu.dma_semaphore, #tpu.memory_space<semaphore_mem>>) src(%arg8 : memref<10240xf32, #tpu.memory_space<vmem>>) dst(%dma_wait3A_28 : memref<10240xf32, #tpu.memory_space<hbm>>)
      tpu.yield
    }) : () -> ()
    return
  }
}

#map = affine_map<(d0, d1) -> (0, 0, 0)>
module attributes {stable_mosaic.version = 14 : i64} {
  func.func @_sc_aggregate(%arg0: i32, %arg1: i32, %arg2: memref<2x10240x64xf32, #tpu.memory_space<hbm>>, %arg3: memref<2x2560x128xi32, #tpu.memory_space<hbm>>, %arg4: memref<2x10240x64xf32, #tpu.memory_space<hbm>>, %arg5: memref<160x128xi32, #tpu.memory_space<vmem>>, %arg6: memref<160x128xi32, #tpu.memory_space<vmem>>, %arg7: memref<128x64xf32, #tpu.memory_space<vmem>>, %arg8: memref<128x64xf32, #tpu.memory_space<vmem>>, %arg9: memref<128x64xf32, #tpu.memory_space<vmem>>, %arg10: memref<128x64xf32, #tpu.memory_space<vmem>>, %arg11: memref<128x64xf32, #tpu.memory_space<vmem>>, %arg12: memref<128x64xf32, #tpu.memory_space<vmem>>, %arg13: memref<10240x64xf32, #tpu.memory_space<vmem_shared>>, %arg14: memref<!tpu.dma_semaphore, #tpu.memory_space<semaphore_mem>>, %arg15: memref<!tpu.dma_semaphore, #tpu.memory_space<semaphore_mem>>, %arg16: memref<!tpu.dma_semaphore, #tpu.memory_space<semaphore_mem>>, %arg17: memref<!tpu.dma_semaphore, #tpu.memory_space<semaphore_mem>>, %arg18: memref<!tpu.dma_semaphore, #tpu.memory_space<semaphore_mem>>, %arg19: memref<!tpu.dma_semaphore, #tpu.memory_space<semaphore_mem>>, %arg20: memref<!tpu.dma_semaphore, #tpu.memory_space<semaphore_mem>>, %arg21: memref<!tpu.dma_semaphore, #tpu.memory_space<semaphore_mem>>, %arg22: memref<!tpu.dma_semaphore, #tpu.memory_space<semaphore_mem>>, %arg23: memref<!tpu.dma_semaphore, #tpu.memory_space<semaphore_mem>>) attributes {dimension_semantics = [#tpu.dimension_semantics<core_parallel>, #tpu.dimension_semantics<subcore_parallel>], iteration_bounds = array<i64: 2, 16>, scalar_prefetch = 0 : i64, scratch_operands = 19 : i64, tpu.core_type = #tpu.core_type<sc_vector_subcore>, window_params = [{transform_indices = #map}, {transform_indices = #map}, {transform_indices = #map}]} {
    %mul3A = arith.constant 160 : i32
    %mul3A_0 = arith.muli %arg1, %mul3A : i32
    %run_scoped3A = arith.constant 0 : i32
    "tpu.region"() ({
      %run_scoped3A_202 = tpu.sem_alloc : memref<!tpu.dma_semaphore, #tpu.memory_space<semaphore_mem>>
      %dma_start3A_203 = arith.constant 0 : i32
      %dma_start3A_204 = tpu.memref_slice %arg3[%run_scoped3A, %mul3A_0, %dma_start3A_203] : memref<2x2560x128xi32, #tpu.memory_space<hbm>> -> memref<1x160x128xi32, #tpu.memory_space<hbm>>
      %dma_start3A_205 = tpu.memref_squeeze %dma_start3A_204 : memref<1x160x128xi32, #tpu.memory_space<hbm>> -> memref<160x128xi32, #tpu.memory_space<hbm>>
      %dma_start3A_206 = arith.constant 0 : i32
      %dma_start3A_207 = tpu.memref_slice %arg3[%run_scoped3A, %mul3A_0, %dma_start3A_206] : memref<2x2560x128xi32, #tpu.memory_space<hbm>> -> memref<1x160x128xi32, #tpu.memory_space<hbm>>
      %dma_start3A_208 = tpu.memref_squeeze %dma_start3A_207 : memref<1x160x128xi32, #tpu.memory_space<hbm>> -> memref<160x128xi32, #tpu.memory_space<hbm>>
      tpu.enqueue_dma source(%dma_start3A_208 : memref<160x128xi32, #tpu.memory_space<hbm>>) target(%arg5 : memref<160x128xi32, #tpu.memory_space<vmem>>) target_semaphore(%run_scoped3A_202 : memref<!tpu.dma_semaphore, #tpu.memory_space<semaphore_mem>>)
      %dma_wait3A_209 = arith.constant 0 : i32
      %dma_wait3A_210 = tpu.memref_slice %arg3[%run_scoped3A, %mul3A_0, %dma_wait3A_209] : memref<2x2560x128xi32, #tpu.memory_space<hbm>> -> memref<1x160x128xi32, #tpu.memory_space<hbm>>
      %dma_wait3A_211 = tpu.memref_squeeze %dma_wait3A_210 : memref<1x160x128xi32, #tpu.memory_space<hbm>> -> memref<160x128xi32, #tpu.memory_space<hbm>>
      %dma_wait3A_212 = arith.constant 0 : i32
      %dma_wait3A_213 = tpu.memref_slice %arg3[%run_scoped3A, %mul3A_0, %dma_wait3A_212] : memref<2x2560x128xi32, #tpu.memory_space<hbm>> -> memref<1x160x128xi32, #tpu.memory_space<hbm>>
      %dma_wait3A_214 = tpu.memref_squeeze %dma_wait3A_213 : memref<1x160x128xi32, #tpu.memory_space<hbm>> -> memref<160x128xi32, #tpu.memory_space<hbm>>
      tpu.wait_dma2 semaphore(%run_scoped3A_202 : memref<!tpu.dma_semaphore, #tpu.memory_space<semaphore_mem>>) src(%dma_wait3A_214 : memref<160x128xi32, #tpu.memory_space<hbm>>) dst(%arg5 : memref<160x128xi32, #tpu.memory_space<vmem>>)
      tpu.yield
    }) : () -> ()
    %mul3A_1 = arith.constant 160 : i32
    %mul3A_2 = arith.muli %arg1, %mul3A_1 : i32
    %run_scoped3A_3 = arith.constant 1 : i32
    "tpu.region"() ({
      %run_scoped3A_202 = tpu.sem_alloc : memref<!tpu.dma_semaphore, #tpu.memory_space<semaphore_mem>>
      %dma_start3A_203 = arith.constant 0 : i32
      %dma_start3A_204 = tpu.memref_slice %arg3[%run_scoped3A_3, %mul3A_2, %dma_start3A_203] : memref<2x2560x128xi32, #tpu.memory_space<hbm>> -> memref<1x160x128xi32, #tpu.memory_space<hbm>>
      %dma_start3A_205 = tpu.memref_squeeze %dma_start3A_204 : memref<1x160x128xi32, #tpu.memory_space<hbm>> -> memref<160x128xi32, #tpu.memory_space<hbm>>
      %dma_start3A_206 = arith.constant 0 : i32
      %dma_start3A_207 = tpu.memref_slice %arg3[%run_scoped3A_3, %mul3A_2, %dma_start3A_206] : memref<2x2560x128xi32, #tpu.memory_space<hbm>> -> memref<1x160x128xi32, #tpu.memory_space<hbm>>
      %dma_start3A_208 = tpu.memref_squeeze %dma_start3A_207 : memref<1x160x128xi32, #tpu.memory_space<hbm>> -> memref<160x128xi32, #tpu.memory_space<hbm>>
      tpu.enqueue_dma source(%dma_start3A_208 : memref<160x128xi32, #tpu.memory_space<hbm>>) target(%arg6 : memref<160x128xi32, #tpu.memory_space<vmem>>) target_semaphore(%run_scoped3A_202 : memref<!tpu.dma_semaphore, #tpu.memory_space<semaphore_mem>>)
      %dma_wait3A_209 = arith.constant 0 : i32
      %dma_wait3A_210 = tpu.memref_slice %arg3[%run_scoped3A_3, %mul3A_2, %dma_wait3A_209] : memref<2x2560x128xi32, #tpu.memory_space<hbm>> -> memref<1x160x128xi32, #tpu.memory_space<hbm>>
      %dma_wait3A_211 = tpu.memref_squeeze %dma_wait3A_210 : memref<1x160x128xi32, #tpu.memory_space<hbm>> -> memref<160x128xi32, #tpu.memory_space<hbm>>
      %dma_wait3A_212 = arith.constant 0 : i32
      %dma_wait3A_213 = tpu.memref_slice %arg3[%run_scoped3A_3, %mul3A_2, %dma_wait3A_212] : memref<2x2560x128xi32, #tpu.memory_space<hbm>> -> memref<1x160x128xi32, #tpu.memory_space<hbm>>
      %dma_wait3A_214 = tpu.memref_squeeze %dma_wait3A_213 : memref<1x160x128xi32, #tpu.memory_space<hbm>> -> memref<160x128xi32, #tpu.memory_space<hbm>>
      tpu.wait_dma2 semaphore(%run_scoped3A_202 : memref<!tpu.dma_semaphore, #tpu.memory_space<semaphore_mem>>) src(%dma_wait3A_214 : memref<160x128xi32, #tpu.memory_space<hbm>>) dst(%arg6 : memref<160x128xi32, #tpu.memory_space<vmem>>)
      tpu.yield
    }) : () -> ()
    %broadcast_in_dim3A = arith.constant 0.000000e+00 : f32
    %broadcast_in_dim3A_4 = vector.broadcast %broadcast_in_dim3A : f32 to vector<16xf32>
    %scan3A = arith.constant 0 : i32
    %scan3A_5 = arith.constant 128 : i32
    %scan3A_6 = arith.addi %scan3A, %scan3A_5 : i32
    %scan3A_7 = arith.constant 1 : i32
    scf.for %scan3A_202 = %scan3A to %scan3A_6 step %scan3A_7  : i32 {
      %mul3A_203 = arith.constant 1 : i32
      %mul3A_204 = arith.muli %scan3A_202, %mul3A_203 : i32
      %add3A = arith.constant 0 : i32
      %add3A_205 = arith.addi %add3A, %mul3A_204 : i32
      %swap3A = arith.index_cast %add3A_205 : i32 to index
      %swap3A_206 = arith.constant 0 : index
      %swap3A_207 = tpu.vector_load %arg12[%swap3A, %swap3A_206] {strides = array<i32>} : memref<128x64xf32, #tpu.memory_space<vmem>>, vector<16xf32>,
      tpu.vector_store %arg12[%swap3A, %swap3A_206], %broadcast_in_dim3A_4 {strides = array<i32>} : memref<128x64xf32, #tpu.memory_space<vmem>>, vector<16xf32>,
      %swap3A_208 = arith.index_cast %add3A_205 : i32 to index
      %swap3A_209 = arith.constant 16 : index
      %swap3A_210 = tpu.vector_load %arg12[%swap3A_208, %swap3A_209] {strides = array<i32>} : memref<128x64xf32, #tpu.memory_space<vmem>>, vector<16xf32>,
      tpu.vector_store %arg12[%swap3A_208, %swap3A_209], %broadcast_in_dim3A_4 {strides = array<i32>} : memref<128x64xf32, #tpu.memory_space<vmem>>, vector<16xf32>,
      %swap3A_211 = arith.index_cast %add3A_205 : i32 to index
      %swap3A_212 = arith.constant 32 : index
      %swap3A_213 = tpu.vector_load %arg12[%swap3A_211, %swap3A_212] {strides = array<i32>} : memref<128x64xf32, #tpu.memory_space<vmem>>, vector<16xf32>,
      tpu.vector_store %arg12[%swap3A_211, %swap3A_212], %broadcast_in_dim3A_4 {strides = array<i32>} : memref<128x64xf32, #tpu.memory_space<vmem>>, vector<16xf32>,
      %swap3A_214 = arith.index_cast %add3A_205 : i32 to index
      %swap3A_215 = arith.constant 48 : index
      %swap3A_216 = tpu.vector_load %arg12[%swap3A_214, %swap3A_215] {strides = array<i32>} : memref<128x64xf32, #tpu.memory_space<vmem>>, vector<16xf32>,
      tpu.vector_store %arg12[%swap3A_214, %swap3A_215], %broadcast_in_dim3A_4 {strides = array<i32>} : memref<128x64xf32, #tpu.memory_space<vmem>>, vector<16xf32>,
    }
    %scan3A_8 = arith.constant 128 : i32
    %scan3A_9 = arith.constant 0 : i32
    %scan3A_10 = arith.constant 5 : i32
    %scan3A_11 = arith.addi %scan3A_9, %scan3A_10 : i32
    %scan3A_12 = arith.constant 1 : i32
    scf.for %scan3A_202 = %scan3A_9 to %scan3A_11 step %scan3A_12  : i32 {
      %mul3A_203 = arith.constant 1 : i32
      %mul3A_204 = arith.muli %scan3A_202, %mul3A_203 : i32
      %add3A = arith.constant 0 : i32
      %add3A_205 = arith.addi %add3A, %mul3A_204 : i32
      %mul3A_206 = arith.constant 640 : i32
      %mul3A_207 = arith.muli %arg1, %mul3A_206 : i32
      %mul3A_208 = arith.constant 128 : i32
      %mul3A_209 = arith.muli %add3A_205, %mul3A_208 : i32
      %add3A_210 = arith.addi %mul3A_207, %mul3A_209 : i32
      "tpu.region"() ({
        %run_scoped3A_211 = tpu.sem_alloc : memref<!tpu.dma_semaphore, #tpu.memory_space<semaphore_mem>>
        %dma_start3A_212 = arith.constant 0 : i32
        %dma_start3A_213 = tpu.memref_slice %arg13[%add3A_210, %dma_start3A_212] : memref<10240x64xf32, #tpu.memory_space<vmem_shared>> -> memref<128x64xf32, #tpu.memory_space<vmem_shared>>
        %dma_start3A_214 = arith.constant 0 : i32
        %dma_start3A_215 = tpu.memref_slice %arg13[%add3A_210, %dma_start3A_214] : memref<10240x64xf32, #tpu.memory_space<vmem_shared>> -> memref<128x64xf32, #tpu.memory_space<vmem_shared>>
        tpu.enqueue_dma source(%arg12 : memref<128x64xf32, #tpu.memory_space<vmem>>) target(%dma_start3A_215 : memref<128x64xf32, #tpu.memory_space<vmem_shared>>) target_semaphore(%run_scoped3A_211 : memref<!tpu.dma_semaphore, #tpu.memory_space<semaphore_mem>>)
        %dma_wait3A_216 = arith.constant 0 : i32
        %dma_wait3A_217 = tpu.memref_slice %arg13[%add3A_210, %dma_wait3A_216] : memref<10240x64xf32, #tpu.memory_space<vmem_shared>> -> memref<128x64xf32, #tpu.memory_space<vmem_shared>>
        %dma_wait3A_218 = arith.constant 0 : i32
        %dma_wait3A_219 = tpu.memref_slice %arg13[%add3A_210, %dma_wait3A_218] : memref<10240x64xf32, #tpu.memory_space<vmem_shared>> -> memref<128x64xf32, #tpu.memory_space<vmem_shared>>
        tpu.wait_dma2 semaphore(%run_scoped3A_211 : memref<!tpu.dma_semaphore, #tpu.memory_space<semaphore_mem>>) src(%arg12 : memref<128x64xf32, #tpu.memory_space<vmem>>) dst(%dma_wait3A_219 : memref<128x64xf32, #tpu.memory_space<vmem_shared>>)
        tpu.yield
      }) : () -> ()
    }
    %scan3A_13 = arith.constant 5 : i32
    %barrier3A = arith.constant 0 : index
    tpu.barrier barrier_id(%barrier3A)
    %dma_start3A = arith.constant 0 : i32
    %dma_start3A_14 = arith.constant 0 : i32
    %dma_start3A_15 = tpu.memref_slice %arg5[%dma_start3A, %dma_start3A_14] : memref<160x128xi32, #tpu.memory_space<vmem>> -> memref<1x128xi32, #tpu.memory_space<vmem>>
    %dma_start3A_16 = tpu.memref_squeeze %dma_start3A_15 : memref<1x128xi32, #tpu.memory_space<vmem>> -> memref<128xi32, #tpu.memory_space<vmem>>
    %dma_start3A_17 = arith.constant 0 : i32
    %dma_start3A_18 = arith.constant 0 : i32
    %dma_start3A_19 = tpu.memref_slice %arg2[%arg0, %dma_start3A_17, %dma_start3A_18] : memref<2x10240x64xf32, #tpu.memory_space<hbm>> -> memref<1x10240x64xf32, #tpu.memory_space<hbm>>
    %dma_start3A_20 = tpu.memref_squeeze %dma_start3A_19 : memref<1x10240x64xf32, #tpu.memory_space<hbm>> -> memref<10240x64xf32, #tpu.memory_space<hbm>>
    %dma_start3A_21 = arith.constant 0 : i32
    %dma_start3A_22 = arith.constant 0 : i32
    %dma_start3A_23 = tpu.memref_slice %dma_start3A_20[%dma_start3A_21, %dma_start3A_22] : memref<10240x64xf32, #tpu.memory_space<hbm>> -> memref<10240x64xf32, #tpu.memory_space<hbm>>
    tpu.enqueue_indirect_dma source(%dma_start3A_23 : memref<10240x64xf32, #tpu.memory_space<hbm>>) target(%arg7 : memref<128x64xf32, #tpu.memory_space<vmem>>) offsets(%dma_start3A_16 : memref<128xi32, #tpu.memory_space<vmem>>) semaphore(%arg14 : memref<!tpu.dma_semaphore, #tpu.memory_space<semaphore_mem>>)
    %dma_start3A_24 = arith.constant 1 : i32
    %dma_start3A_25 = arith.constant 0 : i32
    %dma_start3A_26 = tpu.memref_slice %arg5[%dma_start3A_24, %dma_start3A_25] : memref<160x128xi32, #tpu.memory_space<vmem>> -> memref<1x128xi32, #tpu.memory_space<vmem>>
    %dma_start3A_27 = tpu.memref_squeeze %dma_start3A_26 : memref<1x128xi32, #tpu.memory_space<vmem>> -> memref<128xi32, #tpu.memory_space<vmem>>
    %dma_start3A_28 = arith.constant 0 : i32
    %dma_start3A_29 = arith.constant 0 : i32
    %dma_start3A_30 = tpu.memref_slice %arg2[%arg0, %dma_start3A_28, %dma_start3A_29] : memref<2x10240x64xf32, #tpu.memory_space<hbm>> -> memref<1x10240x64xf32, #tpu.memory_space<hbm>>
    %dma_start3A_31 = tpu.memref_squeeze %dma_start3A_30 : memref<1x10240x64xf32, #tpu.memory_space<hbm>> -> memref<10240x64xf32, #tpu.memory_space<hbm>>
    %dma_start3A_32 = arith.constant 0 : i32
    %dma_start3A_33 = arith.constant 0 : i32
    %dma_start3A_34 = tpu.memref_slice %dma_start3A_31[%dma_start3A_32, %dma_start3A_33] : memref<10240x64xf32, #tpu.memory_space<hbm>> -> memref<10240x64xf32, #tpu.memory_space<hbm>>
    tpu.enqueue_indirect_dma source(%dma_start3A_34 : memref<10240x64xf32, #tpu.memory_space<hbm>>) target(%arg8 : memref<128x64xf32, #tpu.memory_space<vmem>>) offsets(%dma_start3A_27 : memref<128xi32, #tpu.memory_space<vmem>>) semaphore(%arg15 : memref<!tpu.dma_semaphore, #tpu.memory_space<semaphore_mem>>)
    %dma_start3A_35 = arith.constant 2 : i32
    %dma_start3A_36 = arith.constant 0 : i32
    %dma_start3A_37 = tpu.memref_slice %arg5[%dma_start3A_35, %dma_start3A_36] : memref<160x128xi32, #tpu.memory_space<vmem>> -> memref<1x128xi32, #tpu.memory_space<vmem>>
    %dma_start3A_38 = tpu.memref_squeeze %dma_start3A_37 : memref<1x128xi32, #tpu.memory_space<vmem>> -> memref<128xi32, #tpu.memory_space<vmem>>
    %dma_start3A_39 = arith.constant 0 : i32
    %dma_start3A_40 = arith.constant 0 : i32
    %dma_start3A_41 = tpu.memref_slice %arg2[%arg0, %dma_start3A_39, %dma_start3A_40] : memref<2x10240x64xf32, #tpu.memory_space<hbm>> -> memref<1x10240x64xf32, #tpu.memory_space<hbm>>
    %dma_start3A_42 = tpu.memref_squeeze %dma_start3A_41 : memref<1x10240x64xf32, #tpu.memory_space<hbm>> -> memref<10240x64xf32, #tpu.memory_space<hbm>>
    %dma_start3A_43 = arith.constant 0 : i32
    %dma_start3A_44 = arith.constant 0 : i32
    %dma_start3A_45 = tpu.memref_slice %dma_start3A_42[%dma_start3A_43, %dma_start3A_44] : memref<10240x64xf32, #tpu.memory_space<hbm>> -> memref<10240x64xf32, #tpu.memory_space<hbm>>
    tpu.enqueue_indirect_dma source(%dma_start3A_45 : memref<10240x64xf32, #tpu.memory_space<hbm>>) target(%arg9 : memref<128x64xf32, #tpu.memory_space<vmem>>) offsets(%dma_start3A_38 : memref<128xi32, #tpu.memory_space<vmem>>) semaphore(%arg16 : memref<!tpu.dma_semaphore, #tpu.memory_space<semaphore_mem>>)
    %dma_start3A_46 = arith.constant 3 : i32
    %dma_start3A_47 = arith.constant 0 : i32
    %dma_start3A_48 = tpu.memref_slice %arg5[%dma_start3A_46, %dma_start3A_47] : memref<160x128xi32, #tpu.memory_space<vmem>> -> memref<1x128xi32, #tpu.memory_space<vmem>>
    %dma_start3A_49 = tpu.memref_squeeze %dma_start3A_48 : memref<1x128xi32, #tpu.memory_space<vmem>> -> memref<128xi32, #tpu.memory_space<vmem>>
    %dma_start3A_50 = arith.constant 0 : i32
    %dma_start3A_51 = arith.constant 0 : i32
    %dma_start3A_52 = tpu.memref_slice %arg2[%arg0, %dma_start3A_50, %dma_start3A_51] : memref<2x10240x64xf32, #tpu.memory_space<hbm>> -> memref<1x10240x64xf32, #tpu.memory_space<hbm>>
    %dma_start3A_53 = tpu.memref_squeeze %dma_start3A_52 : memref<1x10240x64xf32, #tpu.memory_space<hbm>> -> memref<10240x64xf32, #tpu.memory_space<hbm>>
    %dma_start3A_54 = arith.constant 0 : i32
    %dma_start3A_55 = arith.constant 0 : i32
    %dma_start3A_56 = tpu.memref_slice %dma_start3A_53[%dma_start3A_54, %dma_start3A_55] : memref<10240x64xf32, #tpu.memory_space<hbm>> -> memref<10240x64xf32, #tpu.memory_space<hbm>>
    tpu.enqueue_indirect_dma source(%dma_start3A_56 : memref<10240x64xf32, #tpu.memory_space<hbm>>) target(%arg10 : memref<128x64xf32, #tpu.memory_space<vmem>>) offsets(%dma_start3A_49 : memref<128xi32, #tpu.memory_space<vmem>>) semaphore(%arg17 : memref<!tpu.dma_semaphore, #tpu.memory_space<semaphore_mem>>)
    %dma_start3A_57 = arith.constant 4 : i32
    %dma_start3A_58 = arith.constant 0 : i32
    %dma_start3A_59 = tpu.memref_slice %arg5[%dma_start3A_57, %dma_start3A_58] : memref<160x128xi32, #tpu.memory_space<vmem>> -> memref<1x128xi32, #tpu.memory_space<vmem>>
    %dma_start3A_60 = tpu.memref_squeeze %dma_start3A_59 : memref<1x128xi32, #tpu.memory_space<vmem>> -> memref<128xi32, #tpu.memory_space<vmem>>
    %dma_start3A_61 = arith.constant 0 : i32
    %dma_start3A_62 = arith.constant 0 : i32
    %dma_start3A_63 = tpu.memref_slice %arg2[%arg0, %dma_start3A_61, %dma_start3A_62] : memref<2x10240x64xf32, #tpu.memory_space<hbm>> -> memref<1x10240x64xf32, #tpu.memory_space<hbm>>
    %dma_start3A_64 = tpu.memref_squeeze %dma_start3A_63 : memref<1x10240x64xf32, #tpu.memory_space<hbm>> -> memref<10240x64xf32, #tpu.memory_space<hbm>>
    %dma_start3A_65 = arith.constant 0 : i32
    %dma_start3A_66 = arith.constant 0 : i32
    %dma_start3A_67 = tpu.memref_slice %dma_start3A_64[%dma_start3A_65, %dma_start3A_66] : memref<10240x64xf32, #tpu.memory_space<hbm>> -> memref<10240x64xf32, #tpu.memory_space<hbm>>
    tpu.enqueue_indirect_dma source(%dma_start3A_67 : memref<10240x64xf32, #tpu.memory_space<hbm>>) target(%arg11 : memref<128x64xf32, #tpu.memory_space<vmem>>) offsets(%dma_start3A_60 : memref<128xi32, #tpu.memory_space<vmem>>) semaphore(%arg18 : memref<!tpu.dma_semaphore, #tpu.memory_space<semaphore_mem>>)
    %scan3A_68 = arith.constant 0 : i32
    %scan3A_69 = arith.constant 31 : i32
    %scan3A_70 = arith.addi %scan3A_68, %scan3A_69 : i32
    %scan3A_71 = arith.constant 1 : i32
    scf.for %scan3A_202 = %scan3A_68 to %scan3A_70 step %scan3A_71  : i32 {
      %mul3A_203 = arith.constant 5 : i32
      %mul3A_204 = arith.muli %scan3A_202, %mul3A_203 : i32
      %add3A = arith.constant 0 : i32
      %add3A_205 = arith.addi %add3A, %mul3A_204 : i32
      %add3A_206 = arith.constant 0 : i32
      %add3A_207 = arith.addi %add3A_205, %add3A_206 : i32
      %dma_wait3A_208 = arith.constant 0 : i32
      %dma_wait3A_209 = tpu.memref_slice %arg5[%add3A_207, %dma_wait3A_208] : memref<160x128xi32, #tpu.memory_space<vmem>> -> memref<1x128xi32, #tpu.memory_space<vmem>>
      %dma_wait3A_210 = tpu.memref_squeeze %dma_wait3A_209 : memref<1x128xi32, #tpu.memory_space<vmem>> -> memref<128xi32, #tpu.memory_space<vmem>>
      %dma_wait3A_211 = arith.constant 0 : i32
      %dma_wait3A_212 = arith.constant 0 : i32
      %dma_wait3A_213 = tpu.memref_slice %arg2[%arg0, %dma_wait3A_211, %dma_wait3A_212] : memref<2x10240x64xf32, #tpu.memory_space<hbm>> -> memref<1x10240x64xf32, #tpu.memory_space<hbm>>
      %dma_wait3A_214 = tpu.memref_squeeze %dma_wait3A_213 : memref<1x10240x64xf32, #tpu.memory_space<hbm>> -> memref<10240x64xf32, #tpu.memory_space<hbm>>
      %dma_wait3A_215 = arith.constant 0 : i32
      %dma_wait3A_216 = arith.constant 0 : i32
      %dma_wait3A_217 = tpu.memref_slice %dma_wait3A_214[%dma_wait3A_215, %dma_wait3A_216] : memref<10240x64xf32, #tpu.memory_space<hbm>> -> memref<10240x64xf32, #tpu.memory_space<hbm>>
      tpu.wait_indirect_dma semaphore(%arg14 : memref<!tpu.dma_semaphore, #tpu.memory_space<semaphore_mem>>) src(%dma_wait3A_217 : memref<10240x64xf32, #tpu.memory_space<hbm>>) dst(%arg7 : memref<128x64xf32, #tpu.memory_space<vmem>>)
      %add3A_218 = arith.constant 0 : i32
      %add3A_219 = arith.addi %add3A_205, %add3A_218 : i32
      %dma_start3A_220 = arith.constant 0 : i32
      %dma_start3A_221 = tpu.memref_slice %arg6[%add3A_219, %dma_start3A_220] : memref<160x128xi32, #tpu.memory_space<vmem>> -> memref<1x128xi32, #tpu.memory_space<vmem>>
      %dma_start3A_222 = tpu.memref_squeeze %dma_start3A_221 : memref<1x128xi32, #tpu.memory_space<vmem>> -> memref<128xi32, #tpu.memory_space<vmem>>
      %dma_start3A_223 = arith.constant 0 : i32
      %dma_start3A_224 = arith.constant 0 : i32
      %dma_start3A_225 = tpu.memref_slice %arg13[%dma_start3A_223, %dma_start3A_224] : memref<10240x64xf32, #tpu.memory_space<vmem_shared>> -> memref<10240x64xf32, #tpu.memory_space<vmem_shared>>
      tpu.enqueue_indirect_dma source(%arg7 : memref<128x64xf32, #tpu.memory_space<vmem>>) target(%dma_start3A_225 : memref<10240x64xf32, #tpu.memory_space<vmem_shared>>) offsets(%dma_start3A_222 : memref<128xi32, #tpu.memory_space<vmem>>) semaphore(%arg19 : memref<!tpu.dma_semaphore, #tpu.memory_space<semaphore_mem>>) {add = true}
      %add3A_226 = arith.constant 1 : i32
      %add3A_227 = arith.addi %add3A_205, %add3A_226 : i32
      %dma_wait3A_228 = arith.constant 0 : i32
      %dma_wait3A_229 = tpu.memref_slice %arg5[%add3A_227, %dma_wait3A_228] : memref<160x128xi32, #tpu.memory_space<vmem>> -> memref<1x128xi32, #tpu.memory_space<vmem>>
      %dma_wait3A_230 = tpu.memref_squeeze %dma_wait3A_229 : memref<1x128xi32, #tpu.memory_space<vmem>> -> memref<128xi32, #tpu.memory_space<vmem>>
      %dma_wait3A_231 = arith.constant 0 : i32
      %dma_wait3A_232 = arith.constant 0 : i32
      %dma_wait3A_233 = tpu.memref_slice %arg2[%arg0, %dma_wait3A_231, %dma_wait3A_232] : memref<2x10240x64xf32, #tpu.memory_space<hbm>> -> memref<1x10240x64xf32, #tpu.memory_space<hbm>>
      %dma_wait3A_234 = tpu.memref_squeeze %dma_wait3A_233 : memref<1x10240x64xf32, #tpu.memory_space<hbm>> -> memref<10240x64xf32, #tpu.memory_space<hbm>>
      %dma_wait3A_235 = arith.constant 0 : i32
      %dma_wait3A_236 = arith.constant 0 : i32
      %dma_wait3A_237 = tpu.memref_slice %dma_wait3A_234[%dma_wait3A_235, %dma_wait3A_236] : memref<10240x64xf32, #tpu.memory_space<hbm>> -> memref<10240x64xf32, #tpu.memory_space<hbm>>
      tpu.wait_indirect_dma semaphore(%arg15 : memref<!tpu.dma_semaphore, #tpu.memory_space<semaphore_mem>>) src(%dma_wait3A_237 : memref<10240x64xf32, #tpu.memory_space<hbm>>) dst(%arg8 : memref<128x64xf32, #tpu.memory_space<vmem>>)
      %add3A_238 = arith.constant 1 : i32
      %add3A_239 = arith.addi %add3A_205, %add3A_238 : i32
      %dma_start3A_240 = arith.constant 0 : i32
      %dma_start3A_241 = tpu.memref_slice %arg6[%add3A_239, %dma_start3A_240] : memref<160x128xi32, #tpu.memory_space<vmem>> -> memref<1x128xi32, #tpu.memory_space<vmem>>
      %dma_start3A_242 = tpu.memref_squeeze %dma_start3A_241 : memref<1x128xi32, #tpu.memory_space<vmem>> -> memref<128xi32, #tpu.memory_space<vmem>>
      %dma_start3A_243 = arith.constant 0 : i32
      %dma_start3A_244 = arith.constant 0 : i32
      %dma_start3A_245 = tpu.memref_slice %arg13[%dma_start3A_243, %dma_start3A_244] : memref<10240x64xf32, #tpu.memory_space<vmem_shared>> -> memref<10240x64xf32, #tpu.memory_space<vmem_shared>>
      tpu.enqueue_indirect_dma source(%arg8 : memref<128x64xf32, #tpu.memory_space<vmem>>) target(%dma_start3A_245 : memref<10240x64xf32, #tpu.memory_space<vmem_shared>>) offsets(%dma_start3A_242 : memref<128xi32, #tpu.memory_space<vmem>>) semaphore(%arg20 : memref<!tpu.dma_semaphore, #tpu.memory_space<semaphore_mem>>) {add = true}
      %add3A_246 = arith.constant 2 : i32
      %add3A_247 = arith.addi %add3A_205, %add3A_246 : i32
      %dma_wait3A_248 = arith.constant 0 : i32
      %dma_wait3A_249 = tpu.memref_slice %arg5[%add3A_247, %dma_wait3A_248] : memref<160x128xi32, #tpu.memory_space<vmem>> -> memref<1x128xi32, #tpu.memory_space<vmem>>
      %dma_wait3A_250 = tpu.memref_squeeze %dma_wait3A_249 : memref<1x128xi32, #tpu.memory_space<vmem>> -> memref<128xi32, #tpu.memory_space<vmem>>
      %dma_wait3A_251 = arith.constant 0 : i32
      %dma_wait3A_252 = arith.constant 0 : i32
      %dma_wait3A_253 = tpu.memref_slice %arg2[%arg0, %dma_wait3A_251, %dma_wait3A_252] : memref<2x10240x64xf32, #tpu.memory_space<hbm>> -> memref<1x10240x64xf32, #tpu.memory_space<hbm>>
      %dma_wait3A_254 = tpu.memref_squeeze %dma_wait3A_253 : memref<1x10240x64xf32, #tpu.memory_space<hbm>> -> memref<10240x64xf32, #tpu.memory_space<hbm>>
      %dma_wait3A_255 = arith.constant 0 : i32
      %dma_wait3A_256 = arith.constant 0 : i32
      %dma_wait3A_257 = tpu.memref_slice %dma_wait3A_254[%dma_wait3A_255, %dma_wait3A_256] : memref<10240x64xf32, #tpu.memory_space<hbm>> -> memref<10240x64xf32, #tpu.memory_space<hbm>>
      tpu.wait_indirect_dma semaphore(%arg16 : memref<!tpu.dma_semaphore, #tpu.memory_space<semaphore_mem>>) src(%dma_wait3A_257 : memref<10240x64xf32, #tpu.memory_space<hbm>>) dst(%arg9 : memref<128x64xf32, #tpu.memory_space<vmem>>)
      %add3A_258 = arith.constant 2 : i32
      %add3A_259 = arith.addi %add3A_205, %add3A_258 : i32
      %dma_start3A_260 = arith.constant 0 : i32
      %dma_start3A_261 = tpu.memref_slice %arg6[%add3A_259, %dma_start3A_260] : memref<160x128xi32, #tpu.memory_space<vmem>> -> memref<1x128xi32, #tpu.memory_space<vmem>>
      %dma_start3A_262 = tpu.memref_squeeze %dma_start3A_261 : memref<1x128xi32, #tpu.memory_space<vmem>> -> memref<128xi32, #tpu.memory_space<vmem>>
      %dma_start3A_263 = arith.constant 0 : i32
      %dma_start3A_264 = arith.constant 0 : i32
      %dma_start3A_265 = tpu.memref_slice %arg13[%dma_start3A_263, %dma_start3A_264] : memref<10240x64xf32, #tpu.memory_space<vmem_shared>> -> memref<10240x64xf32, #tpu.memory_space<vmem_shared>>
      tpu.enqueue_indirect_dma source(%arg9 : memref<128x64xf32, #tpu.memory_space<vmem>>) target(%dma_start3A_265 : memref<10240x64xf32, #tpu.memory_space<vmem_shared>>) offsets(%dma_start3A_262 : memref<128xi32, #tpu.memory_space<vmem>>) semaphore(%arg21 : memref<!tpu.dma_semaphore, #tpu.memory_space<semaphore_mem>>) {add = true}
      %add3A_266 = arith.constant 3 : i32
      %add3A_267 = arith.addi %add3A_205, %add3A_266 : i32
      %dma_wait3A_268 = arith.constant 0 : i32
      %dma_wait3A_269 = tpu.memref_slice %arg5[%add3A_267, %dma_wait3A_268] : memref<160x128xi32, #tpu.memory_space<vmem>> -> memref<1x128xi32, #tpu.memory_space<vmem>>
      %dma_wait3A_270 = tpu.memref_squeeze %dma_wait3A_269 : memref<1x128xi32, #tpu.memory_space<vmem>> -> memref<128xi32, #tpu.memory_space<vmem>>
      %dma_wait3A_271 = arith.constant 0 : i32
      %dma_wait3A_272 = arith.constant 0 : i32
      %dma_wait3A_273 = tpu.memref_slice %arg2[%arg0, %dma_wait3A_271, %dma_wait3A_272] : memref<2x10240x64xf32, #tpu.memory_space<hbm>> -> memref<1x10240x64xf32, #tpu.memory_space<hbm>>
      %dma_wait3A_274 = tpu.memref_squeeze %dma_wait3A_273 : memref<1x10240x64xf32, #tpu.memory_space<hbm>> -> memref<10240x64xf32, #tpu.memory_space<hbm>>
      %dma_wait3A_275 = arith.constant 0 : i32
      %dma_wait3A_276 = arith.constant 0 : i32
      %dma_wait3A_277 = tpu.memref_slice %dma_wait3A_274[%dma_wait3A_275, %dma_wait3A_276] : memref<10240x64xf32, #tpu.memory_space<hbm>> -> memref<10240x64xf32, #tpu.memory_space<hbm>>
      tpu.wait_indirect_dma semaphore(%arg17 : memref<!tpu.dma_semaphore, #tpu.memory_space<semaphore_mem>>) src(%dma_wait3A_277 : memref<10240x64xf32, #tpu.memory_space<hbm>>) dst(%arg10 : memref<128x64xf32, #tpu.memory_space<vmem>>)
      %add3A_278 = arith.constant 3 : i32
      %add3A_279 = arith.addi %add3A_205, %add3A_278 : i32
      %dma_start3A_280 = arith.constant 0 : i32
      %dma_start3A_281 = tpu.memref_slice %arg6[%add3A_279, %dma_start3A_280] : memref<160x128xi32, #tpu.memory_space<vmem>> -> memref<1x128xi32, #tpu.memory_space<vmem>>
      %dma_start3A_282 = tpu.memref_squeeze %dma_start3A_281 : memref<1x128xi32, #tpu.memory_space<vmem>> -> memref<128xi32, #tpu.memory_space<vmem>>
      %dma_start3A_283 = arith.constant 0 : i32
      %dma_start3A_284 = arith.constant 0 : i32
      %dma_start3A_285 = tpu.memref_slice %arg13[%dma_start3A_283, %dma_start3A_284] : memref<10240x64xf32, #tpu.memory_space<vmem_shared>> -> memref<10240x64xf32, #tpu.memory_space<vmem_shared>>
      tpu.enqueue_indirect_dma source(%arg10 : memref<128x64xf32, #tpu.memory_space<vmem>>) target(%dma_start3A_285 : memref<10240x64xf32, #tpu.memory_space<vmem_shared>>) offsets(%dma_start3A_282 : memref<128xi32, #tpu.memory_space<vmem>>) semaphore(%arg22 : memref<!tpu.dma_semaphore, #tpu.memory_space<semaphore_mem>>) {add = true}
      %add3A_286 = arith.constant 4 : i32
      %add3A_287 = arith.addi %add3A_205, %add3A_286 : i32
      %dma_wait3A_288 = arith.constant 0 : i32
      %dma_wait3A_289 = tpu.memref_slice %arg5[%add3A_287, %dma_wait3A_288] : memref<160x128xi32, #tpu.memory_space<vmem>> -> memref<1x128xi32, #tpu.memory_space<vmem>>
      %dma_wait3A_290 = tpu.memref_squeeze %dma_wait3A_289 : memref<1x128xi32, #tpu.memory_space<vmem>> -> memref<128xi32, #tpu.memory_space<vmem>>
      %dma_wait3A_291 = arith.constant 0 : i32
      %dma_wait3A_292 = arith.constant 0 : i32
      %dma_wait3A_293 = tpu.memref_slice %arg2[%arg0, %dma_wait3A_291, %dma_wait3A_292] : memref<2x10240x64xf32, #tpu.memory_space<hbm>> -> memref<1x10240x64xf32, #tpu.memory_space<hbm>>
      %dma_wait3A_294 = tpu.memref_squeeze %dma_wait3A_293 : memref<1x10240x64xf32, #tpu.memory_space<hbm>> -> memref<10240x64xf32, #tpu.memory_space<hbm>>
      %dma_wait3A_295 = arith.constant 0 : i32
      %dma_wait3A_296 = arith.constant 0 : i32
      %dma_wait3A_297 = tpu.memref_slice %dma_wait3A_294[%dma_wait3A_295, %dma_wait3A_296] : memref<10240x64xf32, #tpu.memory_space<hbm>> -> memref<10240x64xf32, #tpu.memory_space<hbm>>
      tpu.wait_indirect_dma semaphore(%arg18 : memref<!tpu.dma_semaphore, #tpu.memory_space<semaphore_mem>>) src(%dma_wait3A_297 : memref<10240x64xf32, #tpu.memory_space<hbm>>) dst(%arg11 : memref<128x64xf32, #tpu.memory_space<vmem>>)
      %add3A_298 = arith.constant 4 : i32
      %add3A_299 = arith.addi %add3A_205, %add3A_298 : i32
      %dma_start3A_300 = arith.constant 0 : i32
      %dma_start3A_301 = tpu.memref_slice %arg6[%add3A_299, %dma_start3A_300] : memref<160x128xi32, #tpu.memory_space<vmem>> -> memref<1x128xi32, #tpu.memory_space<vmem>>
      %dma_start3A_302 = tpu.memref_squeeze %dma_start3A_301 : memref<1x128xi32, #tpu.memory_space<vmem>> -> memref<128xi32, #tpu.memory_space<vmem>>
      %dma_start3A_303 = arith.constant 0 : i32
      %dma_start3A_304 = arith.constant 0 : i32
      %dma_start3A_305 = tpu.memref_slice %arg13[%dma_start3A_303, %dma_start3A_304] : memref<10240x64xf32, #tpu.memory_space<vmem_shared>> -> memref<10240x64xf32, #tpu.memory_space<vmem_shared>>
      tpu.enqueue_indirect_dma source(%arg11 : memref<128x64xf32, #tpu.memory_space<vmem>>) target(%dma_start3A_305 : memref<10240x64xf32, #tpu.memory_space<vmem_shared>>) offsets(%dma_start3A_302 : memref<128xi32, #tpu.memory_space<vmem>>) semaphore(%arg23 : memref<!tpu.dma_semaphore, #tpu.memory_space<semaphore_mem>>) {add = true}
      %add3A_306 = arith.constant 0 : i32
      %add3A_307 = arith.addi %add3A_205, %add3A_306 : i32
      %dma_wait3A_308 = arith.constant 0 : i32
      %dma_wait3A_309 = tpu.memref_slice %arg6[%add3A_307, %dma_wait3A_308] : memref<160x128xi32, #tpu.memory_space<vmem>> -> memref<1x128xi32, #tpu.memory_space<vmem>>
      %dma_wait3A_310 = tpu.memref_squeeze %dma_wait3A_309 : memref<1x128xi32, #tpu.memory_space<vmem>> -> memref<128xi32, #tpu.memory_space<vmem>>
      %dma_wait3A_311 = arith.constant 0 : i32
      %dma_wait3A_312 = arith.constant 0 : i32
      %dma_wait3A_313 = tpu.memref_slice %arg13[%dma_wait3A_311, %dma_wait3A_312] : memref<10240x64xf32, #tpu.memory_space<vmem_shared>> -> memref<10240x64xf32, #tpu.memory_space<vmem_shared>>
      tpu.wait_indirect_dma semaphore(%arg19 : memref<!tpu.dma_semaphore, #tpu.memory_space<semaphore_mem>>) src(%arg7 : memref<128x64xf32, #tpu.memory_space<vmem>>) dst(%dma_wait3A_313 : memref<10240x64xf32, #tpu.memory_space<vmem_shared>>)
      %add3A_314 = arith.constant 5 : i32
      %add3A_315 = arith.addi %add3A_205, %add3A_314 : i32
      %add3A_316 = arith.constant 0 : i32
      %add3A_317 = arith.addi %add3A_315, %add3A_316 : i32
      %dma_start3A_318 = arith.constant 0 : i32
      %dma_start3A_319 = tpu.memref_slice %arg5[%add3A_317, %dma_start3A_318] : memref<160x128xi32, #tpu.memory_space<vmem>> -> memref<1x128xi32, #tpu.memory_space<vmem>>
      %dma_start3A_320 = tpu.memref_squeeze %dma_start3A_319 : memref<1x128xi32, #tpu.memory_space<vmem>> -> memref<128xi32, #tpu.memory_space<vmem>>
      %dma_start3A_321 = arith.constant 0 : i32
      %dma_start3A_322 = arith.constant 0 : i32
      %dma_start3A_323 = tpu.memref_slice %arg2[%arg0, %dma_start3A_321, %dma_start3A_322] : memref<2x10240x64xf32, #tpu.memory_space<hbm>> -> memref<1x10240x64xf32, #tpu.memory_space<hbm>>
      %dma_start3A_324 = tpu.memref_squeeze %dma_start3A_323 : memref<1x10240x64xf32, #tpu.memory_space<hbm>> -> memref<10240x64xf32, #tpu.memory_space<hbm>>
      %dma_start3A_325 = arith.constant 0 : i32
      %dma_start3A_326 = arith.constant 0 : i32
      %dma_start3A_327 = tpu.memref_slice %dma_start3A_324[%dma_start3A_325, %dma_start3A_326] : memref<10240x64xf32, #tpu.memory_space<hbm>> -> memref<10240x64xf32, #tpu.memory_space<hbm>>
      tpu.enqueue_indirect_dma source(%dma_start3A_327 : memref<10240x64xf32, #tpu.memory_space<hbm>>) target(%arg7 : memref<128x64xf32, #tpu.memory_space<vmem>>) offsets(%dma_start3A_320 : memref<128xi32, #tpu.memory_space<vmem>>) semaphore(%arg14 : memref<!tpu.dma_semaphore, #tpu.memory_space<semaphore_mem>>)
      %add3A_328 = arith.constant 1 : i32
      %add3A_329 = arith.addi %add3A_205, %add3A_328 : i32
      %dma_wait3A_330 = arith.constant 0 : i32
      %dma_wait3A_331 = tpu.memref_slice %arg6[%add3A_329, %dma_wait3A_330] : memref<160x128xi32, #tpu.memory_space<vmem>> -> memref<1x128xi32, #tpu.memory_space<vmem>>
      %dma_wait3A_332 = tpu.memref_squeeze %dma_wait3A_331 : memref<1x128xi32, #tpu.memory_space<vmem>> -> memref<128xi32, #tpu.memory_space<vmem>>
      %dma_wait3A_333 = arith.constant 0 : i32
      %dma_wait3A_334 = arith.constant 0 : i32
      %dma_wait3A_335 = tpu.memref_slice %arg13[%dma_wait3A_333, %dma_wait3A_334] : memref<10240x64xf32, #tpu.memory_space<vmem_shared>> -> memref<10240x64xf32, #tpu.memory_space<vmem_shared>>
      tpu.wait_indirect_dma semaphore(%arg20 : memref<!tpu.dma_semaphore, #tpu.memory_space<semaphore_mem>>) src(%arg8 : memref<128x64xf32, #tpu.memory_space<vmem>>) dst(%dma_wait3A_335 : memref<10240x64xf32, #tpu.memory_space<vmem_shared>>)
      %add3A_336 = arith.constant 5 : i32
      %add3A_337 = arith.addi %add3A_205, %add3A_336 : i32
      %add3A_338 = arith.constant 1 : i32
      %add3A_339 = arith.addi %add3A_337, %add3A_338 : i32
      %dma_start3A_340 = arith.constant 0 : i32
      %dma_start3A_341 = tpu.memref_slice %arg5[%add3A_339, %dma_start3A_340] : memref<160x128xi32, #tpu.memory_space<vmem>> -> memref<1x128xi32, #tpu.memory_space<vmem>>
      %dma_start3A_342 = tpu.memref_squeeze %dma_start3A_341 : memref<1x128xi32, #tpu.memory_space<vmem>> -> memref<128xi32, #tpu.memory_space<vmem>>
      %dma_start3A_343 = arith.constant 0 : i32
      %dma_start3A_344 = arith.constant 0 : i32
      %dma_start3A_345 = tpu.memref_slice %arg2[%arg0, %dma_start3A_343, %dma_start3A_344] : memref<2x10240x64xf32, #tpu.memory_space<hbm>> -> memref<1x10240x64xf32, #tpu.memory_space<hbm>>
      %dma_start3A_346 = tpu.memref_squeeze %dma_start3A_345 : memref<1x10240x64xf32, #tpu.memory_space<hbm>> -> memref<10240x64xf32, #tpu.memory_space<hbm>>
      %dma_start3A_347 = arith.constant 0 : i32
      %dma_start3A_348 = arith.constant 0 : i32
      %dma_start3A_349 = tpu.memref_slice %dma_start3A_346[%dma_start3A_347, %dma_start3A_348] : memref<10240x64xf32, #tpu.memory_space<hbm>> -> memref<10240x64xf32, #tpu.memory_space<hbm>>
      tpu.enqueue_indirect_dma source(%dma_start3A_349 : memref<10240x64xf32, #tpu.memory_space<hbm>>) target(%arg8 : memref<128x64xf32, #tpu.memory_space<vmem>>) offsets(%dma_start3A_342 : memref<128xi32, #tpu.memory_space<vmem>>) semaphore(%arg15 : memref<!tpu.dma_semaphore, #tpu.memory_space<semaphore_mem>>)
      %add3A_350 = arith.constant 2 : i32
      %add3A_351 = arith.addi %add3A_205, %add3A_350 : i32
      %dma_wait3A_352 = arith.constant 0 : i32
      %dma_wait3A_353 = tpu.memref_slice %arg6[%add3A_351, %dma_wait3A_352] : memref<160x128xi32, #tpu.memory_space<vmem>> -> memref<1x128xi32, #tpu.memory_space<vmem>>
      %dma_wait3A_354 = tpu.memref_squeeze %dma_wait3A_353 : memref<1x128xi32, #tpu.memory_space<vmem>> -> memref<128xi32, #tpu.memory_space<vmem>>
      %dma_wait3A_355 = arith.constant 0 : i32
      %dma_wait3A_356 = arith.constant 0 : i32
      %dma_wait3A_357 = tpu.memref_slice %arg13[%dma_wait3A_355, %dma_wait3A_356] : memref<10240x64xf32, #tpu.memory_space<vmem_shared>> -> memref<10240x64xf32, #tpu.memory_space<vmem_shared>>
      tpu.wait_indirect_dma semaphore(%arg21 : memref<!tpu.dma_semaphore, #tpu.memory_space<semaphore_mem>>) src(%arg9 : memref<128x64xf32, #tpu.memory_space<vmem>>) dst(%dma_wait3A_357 : memref<10240x64xf32, #tpu.memory_space<vmem_shared>>)
      %add3A_358 = arith.constant 5 : i32
      %add3A_359 = arith.addi %add3A_205, %add3A_358 : i32
      %add3A_360 = arith.constant 2 : i32
      %add3A_361 = arith.addi %add3A_359, %add3A_360 : i32
      %dma_start3A_362 = arith.constant 0 : i32
      %dma_start3A_363 = tpu.memref_slice %arg5[%add3A_361, %dma_start3A_362] : memref<160x128xi32, #tpu.memory_space<vmem>> -> memref<1x128xi32, #tpu.memory_space<vmem>>
      %dma_start3A_364 = tpu.memref_squeeze %dma_start3A_363 : memref<1x128xi32, #tpu.memory_space<vmem>> -> memref<128xi32, #tpu.memory_space<vmem>>
      %dma_start3A_365 = arith.constant 0 : i32
      %dma_start3A_366 = arith.constant 0 : i32
      %dma_start3A_367 = tpu.memref_slice %arg2[%arg0, %dma_start3A_365, %dma_start3A_366] : memref<2x10240x64xf32, #tpu.memory_space<hbm>> -> memref<1x10240x64xf32, #tpu.memory_space<hbm>>
      %dma_start3A_368 = tpu.memref_squeeze %dma_start3A_367 : memref<1x10240x64xf32, #tpu.memory_space<hbm>> -> memref<10240x64xf32, #tpu.memory_space<hbm>>
      %dma_start3A_369 = arith.constant 0 : i32
      %dma_start3A_370 = arith.constant 0 : i32
      %dma_start3A_371 = tpu.memref_slice %dma_start3A_368[%dma_start3A_369, %dma_start3A_370] : memref<10240x64xf32, #tpu.memory_space<hbm>> -> memref<10240x64xf32, #tpu.memory_space<hbm>>
      tpu.enqueue_indirect_dma source(%dma_start3A_371 : memref<10240x64xf32, #tpu.memory_space<hbm>>) target(%arg9 : memref<128x64xf32, #tpu.memory_space<vmem>>) offsets(%dma_start3A_364 : memref<128xi32, #tpu.memory_space<vmem>>) semaphore(%arg16 : memref<!tpu.dma_semaphore, #tpu.memory_space<semaphore_mem>>)
      %add3A_372 = arith.constant 3 : i32
      %add3A_373 = arith.addi %add3A_205, %add3A_372 : i32
      %dma_wait3A_374 = arith.constant 0 : i32
      %dma_wait3A_375 = tpu.memref_slice %arg6[%add3A_373, %dma_wait3A_374] : memref<160x128xi32, #tpu.memory_space<vmem>> -> memref<1x128xi32, #tpu.memory_space<vmem>>
      %dma_wait3A_376 = tpu.memref_squeeze %dma_wait3A_375 : memref<1x128xi32, #tpu.memory_space<vmem>> -> memref<128xi32, #tpu.memory_space<vmem>>
      %dma_wait3A_377 = arith.constant 0 : i32
      %dma_wait3A_378 = arith.constant 0 : i32
      %dma_wait3A_379 = tpu.memref_slice %arg13[%dma_wait3A_377, %dma_wait3A_378] : memref<10240x64xf32, #tpu.memory_space<vmem_shared>> -> memref<10240x64xf32, #tpu.memory_space<vmem_shared>>
      tpu.wait_indirect_dma semaphore(%arg22 : memref<!tpu.dma_semaphore, #tpu.memory_space<semaphore_mem>>) src(%arg10 : memref<128x64xf32, #tpu.memory_space<vmem>>) dst(%dma_wait3A_379 : memref<10240x64xf32, #tpu.memory_space<vmem_shared>>)
      %add3A_380 = arith.constant 5 : i32
      %add3A_381 = arith.addi %add3A_205, %add3A_380 : i32
      %add3A_382 = arith.constant 3 : i32
      %add3A_383 = arith.addi %add3A_381, %add3A_382 : i32
      %dma_start3A_384 = arith.constant 0 : i32
      %dma_start3A_385 = tpu.memref_slice %arg5[%add3A_383, %dma_start3A_384] : memref<160x128xi32, #tpu.memory_space<vmem>> -> memref<1x128xi32, #tpu.memory_space<vmem>>
      %dma_start3A_386 = tpu.memref_squeeze %dma_start3A_385 : memref<1x128xi32, #tpu.memory_space<vmem>> -> memref<128xi32, #tpu.memory_space<vmem>>
      %dma_start3A_387 = arith.constant 0 : i32
      %dma_start3A_388 = arith.constant 0 : i32
      %dma_start3A_389 = tpu.memref_slice %arg2[%arg0, %dma_start3A_387, %dma_start3A_388] : memref<2x10240x64xf32, #tpu.memory_space<hbm>> -> memref<1x10240x64xf32, #tpu.memory_space<hbm>>
      %dma_start3A_390 = tpu.memref_squeeze %dma_start3A_389 : memref<1x10240x64xf32, #tpu.memory_space<hbm>> -> memref<10240x64xf32, #tpu.memory_space<hbm>>
      %dma_start3A_391 = arith.constant 0 : i32
      %dma_start3A_392 = arith.constant 0 : i32
      %dma_start3A_393 = tpu.memref_slice %dma_start3A_390[%dma_start3A_391, %dma_start3A_392] : memref<10240x64xf32, #tpu.memory_space<hbm>> -> memref<10240x64xf32, #tpu.memory_space<hbm>>
      tpu.enqueue_indirect_dma source(%dma_start3A_393 : memref<10240x64xf32, #tpu.memory_space<hbm>>) target(%arg10 : memref<128x64xf32, #tpu.memory_space<vmem>>) offsets(%dma_start3A_386 : memref<128xi32, #tpu.memory_space<vmem>>) semaphore(%arg17 : memref<!tpu.dma_semaphore, #tpu.memory_space<semaphore_mem>>)
      %add3A_394 = arith.constant 4 : i32
      %add3A_395 = arith.addi %add3A_205, %add3A_394 : i32
      %dma_wait3A_396 = arith.constant 0 : i32
      %dma_wait3A_397 = tpu.memref_slice %arg6[%add3A_395, %dma_wait3A_396] : memref<160x128xi32, #tpu.memory_space<vmem>> -> memref<1x128xi32, #tpu.memory_space<vmem>>
      %dma_wait3A_398 = tpu.memref_squeeze %dma_wait3A_397 : memref<1x128xi32, #tpu.memory_space<vmem>> -> memref<128xi32, #tpu.memory_space<vmem>>
      %dma_wait3A_399 = arith.constant 0 : i32
      %dma_wait3A_400 = arith.constant 0 : i32
      %dma_wait3A_401 = tpu.memref_slice %arg13[%dma_wait3A_399, %dma_wait3A_400] : memref<10240x64xf32, #tpu.memory_space<vmem_shared>> -> memref<10240x64xf32, #tpu.memory_space<vmem_shared>>
      tpu.wait_indirect_dma semaphore(%arg23 : memref<!tpu.dma_semaphore, #tpu.memory_space<semaphore_mem>>) src(%arg11 : memref<128x64xf32, #tpu.memory_space<vmem>>) dst(%dma_wait3A_401 : memref<10240x64xf32, #tpu.memory_space<vmem_shared>>)
      %add3A_402 = arith.constant 5 : i32
      %add3A_403 = arith.addi %add3A_205, %add3A_402 : i32
      %add3A_404 = arith.constant 4 : i32
      %add3A_405 = arith.addi %add3A_403, %add3A_404 : i32
      %dma_start3A_406 = arith.constant 0 : i32
      %dma_start3A_407 = tpu.memref_slice %arg5[%add3A_405, %dma_start3A_406] : memref<160x128xi32, #tpu.memory_space<vmem>> -> memref<1x128xi32, #tpu.memory_space<vmem>>
      %dma_start3A_408 = tpu.memref_squeeze %dma_start3A_407 : memref<1x128xi32, #tpu.memory_space<vmem>> -> memref<128xi32, #tpu.memory_space<vmem>>
      %dma_start3A_409 = arith.constant 0 : i32
      %dma_start3A_410 = arith.constant 0 : i32
      %dma_start3A_411 = tpu.memref_slice %arg2[%arg0, %dma_start3A_409, %dma_start3A_410] : memref<2x10240x64xf32, #tpu.memory_space<hbm>> -> memref<1x10240x64xf32, #tpu.memory_space<hbm>>
      %dma_start3A_412 = tpu.memref_squeeze %dma_start3A_411 : memref<1x10240x64xf32, #tpu.memory_space<hbm>> -> memref<10240x64xf32, #tpu.memory_space<hbm>>
      %dma_start3A_413 = arith.constant 0 : i32
      %dma_start3A_414 = arith.constant 0 : i32
      %dma_start3A_415 = tpu.memref_slice %dma_start3A_412[%dma_start3A_413, %dma_start3A_414] : memref<10240x64xf32, #tpu.memory_space<hbm>> -> memref<10240x64xf32, #tpu.memory_space<hbm>>
      tpu.enqueue_indirect_dma source(%dma_start3A_415 : memref<10240x64xf32, #tpu.memory_space<hbm>>) target(%arg11 : memref<128x64xf32, #tpu.memory_space<vmem>>) offsets(%dma_start3A_408 : memref<128xi32, #tpu.memory_space<vmem>>) semaphore(%arg18 : memref<!tpu.dma_semaphore, #tpu.memory_space<semaphore_mem>>)
    }
    %scan3A_72 = arith.constant 31 : i32
    %dma_wait3A = arith.constant 155 : i32
    %dma_wait3A_73 = arith.constant 0 : i32
    %dma_wait3A_74 = tpu.memref_slice %arg5[%dma_wait3A, %dma_wait3A_73] : memref<160x128xi32, #tpu.memory_space<vmem>> -> memref<1x128xi32, #tpu.memory_space<vmem>>
    %dma_wait3A_75 = tpu.memref_squeeze %dma_wait3A_74 : memref<1x128xi32, #tpu.memory_space<vmem>> -> memref<128xi32, #tpu.memory_space<vmem>>
    %dma_wait3A_76 = arith.constant 0 : i32
    %dma_wait3A_77 = arith.constant 0 : i32
    %dma_wait3A_78 = tpu.memref_slice %arg2[%arg0, %dma_wait3A_76, %dma_wait3A_77] : memref<2x10240x64xf32, #tpu.memory_space<hbm>> -> memref<1x10240x64xf32, #tpu.memory_space<hbm>>
    %dma_wait3A_79 = tpu.memref_squeeze %dma_wait3A_78 : memref<1x10240x64xf32, #tpu.memory_space<hbm>> -> memref<10240x64xf32, #tpu.memory_space<hbm>>
    %dma_wait3A_80 = arith.constant 0 : i32
    %dma_wait3A_81 = arith.constant 0 : i32
    %dma_wait3A_82 = tpu.memref_slice %dma_wait3A_79[%dma_wait3A_80, %dma_wait3A_81] : memref<10240x64xf32, #tpu.memory_space<hbm>> -> memref<10240x64xf32, #tpu.memory_space<hbm>>
    tpu.wait_indirect_dma semaphore(%arg14 : memref<!tpu.dma_semaphore, #tpu.memory_space<semaphore_mem>>) src(%dma_wait3A_82 : memref<10240x64xf32, #tpu.memory_space<hbm>>) dst(%arg7 : memref<128x64xf32, #tpu.memory_space<vmem>>)
    %dma_start3A_83 = arith.constant 155 : i32
    %dma_start3A_84 = arith.constant 0 : i32
    %dma_start3A_85 = tpu.memref_slice %arg6[%dma_start3A_83, %dma_start3A_84] : memref<160x128xi32, #tpu.memory_space<vmem>> -> memref<1x128xi32, #tpu.memory_space<vmem>>
    %dma_start3A_86 = tpu.memref_squeeze %dma_start3A_85 : memref<1x128xi32, #tpu.memory_space<vmem>> -> memref<128xi32, #tpu.memory_space<vmem>>
    %dma_start3A_87 = arith.constant 0 : i32
    %dma_start3A_88 = arith.constant 0 : i32
    %dma_start3A_89 = tpu.memref_slice %arg13[%dma_start3A_87, %dma_start3A_88] : memref<10240x64xf32, #tpu.memory_space<vmem_shared>> -> memref<10240x64xf32, #tpu.memory_space<vmem_shared>>
    tpu.enqueue_indirect_dma source(%arg7 : memref<128x64xf32, #tpu.memory_space<vmem>>) target(%dma_start3A_89 : memref<10240x64xf32, #tpu.memory_space<vmem_shared>>) offsets(%dma_start3A_86 : memref<128xi32, #tpu.memory_space<vmem>>) semaphore(%arg19 : memref<!tpu.dma_semaphore, #tpu.memory_space<semaphore_mem>>) {add = true}
    %dma_wait3A_90 = arith.constant 156 : i32
    %dma_wait3A_91 = arith.constant 0 : i32
    %dma_wait3A_92 = tpu.memref_slice %arg5[%dma_wait3A_90, %dma_wait3A_91] : memref<160x128xi32, #tpu.memory_space<vmem>> -> memref<1x128xi32, #tpu.memory_space<vmem>>
    %dma_wait3A_93 = tpu.memref_squeeze %dma_wait3A_92 : memref<1x128xi32, #tpu.memory_space<vmem>> -> memref<128xi32, #tpu.memory_space<vmem>>
    %dma_wait3A_94 = arith.constant 0 : i32
    %dma_wait3A_95 = arith.constant 0 : i32
    %dma_wait3A_96 = tpu.memref_slice %arg2[%arg0, %dma_wait3A_94, %dma_wait3A_95] : memref<2x10240x64xf32, #tpu.memory_space<hbm>> -> memref<1x10240x64xf32, #tpu.memory_space<hbm>>
    %dma_wait3A_97 = tpu.memref_squeeze %dma_wait3A_96 : memref<1x10240x64xf32, #tpu.memory_space<hbm>> -> memref<10240x64xf32, #tpu.memory_space<hbm>>
    %dma_wait3A_98 = arith.constant 0 : i32
    %dma_wait3A_99 = arith.constant 0 : i32
    %dma_wait3A_100 = tpu.memref_slice %dma_wait3A_97[%dma_wait3A_98, %dma_wait3A_99] : memref<10240x64xf32, #tpu.memory_space<hbm>> -> memref<10240x64xf32, #tpu.memory_space<hbm>>
    tpu.wait_indirect_dma semaphore(%arg15 : memref<!tpu.dma_semaphore, #tpu.memory_space<semaphore_mem>>) src(%dma_wait3A_100 : memref<10240x64xf32, #tpu.memory_space<hbm>>) dst(%arg8 : memref<128x64xf32, #tpu.memory_space<vmem>>)
    %dma_start3A_101 = arith.constant 156 : i32
    %dma_start3A_102 = arith.constant 0 : i32
    %dma_start3A_103 = tpu.memref_slice %arg6[%dma_start3A_101, %dma_start3A_102] : memref<160x128xi32, #tpu.memory_space<vmem>> -> memref<1x128xi32, #tpu.memory_space<vmem>>
    %dma_start3A_104 = tpu.memref_squeeze %dma_start3A_103 : memref<1x128xi32, #tpu.memory_space<vmem>> -> memref<128xi32, #tpu.memory_space<vmem>>
    %dma_start3A_105 = arith.constant 0 : i32
    %dma_start3A_106 = arith.constant 0 : i32
    %dma_start3A_107 = tpu.memref_slice %arg13[%dma_start3A_105, %dma_start3A_106] : memref<10240x64xf32, #tpu.memory_space<vmem_shared>> -> memref<10240x64xf32, #tpu.memory_space<vmem_shared>>
    tpu.enqueue_indirect_dma source(%arg8 : memref<128x64xf32, #tpu.memory_space<vmem>>) target(%dma_start3A_107 : memref<10240x64xf32, #tpu.memory_space<vmem_shared>>) offsets(%dma_start3A_104 : memref<128xi32, #tpu.memory_space<vmem>>) semaphore(%arg20 : memref<!tpu.dma_semaphore, #tpu.memory_space<semaphore_mem>>) {add = true}
    %dma_wait3A_108 = arith.constant 157 : i32
    %dma_wait3A_109 = arith.constant 0 : i32
    %dma_wait3A_110 = tpu.memref_slice %arg5[%dma_wait3A_108, %dma_wait3A_109] : memref<160x128xi32, #tpu.memory_space<vmem>> -> memref<1x128xi32, #tpu.memory_space<vmem>>
    %dma_wait3A_111 = tpu.memref_squeeze %dma_wait3A_110 : memref<1x128xi32, #tpu.memory_space<vmem>> -> memref<128xi32, #tpu.memory_space<vmem>>
    %dma_wait3A_112 = arith.constant 0 : i32
    %dma_wait3A_113 = arith.constant 0 : i32
    %dma_wait3A_114 = tpu.memref_slice %arg2[%arg0, %dma_wait3A_112, %dma_wait3A_113] : memref<2x10240x64xf32, #tpu.memory_space<hbm>> -> memref<1x10240x64xf32, #tpu.memory_space<hbm>>
    %dma_wait3A_115 = tpu.memref_squeeze %dma_wait3A_114 : memref<1x10240x64xf32, #tpu.memory_space<hbm>> -> memref<10240x64xf32, #tpu.memory_space<hbm>>
    %dma_wait3A_116 = arith.constant 0 : i32
    %dma_wait3A_117 = arith.constant 0 : i32
    %dma_wait3A_118 = tpu.memref_slice %dma_wait3A_115[%dma_wait3A_116, %dma_wait3A_117] : memref<10240x64xf32, #tpu.memory_space<hbm>> -> memref<10240x64xf32, #tpu.memory_space<hbm>>
    tpu.wait_indirect_dma semaphore(%arg16 : memref<!tpu.dma_semaphore, #tpu.memory_space<semaphore_mem>>) src(%dma_wait3A_118 : memref<10240x64xf32, #tpu.memory_space<hbm>>) dst(%arg9 : memref<128x64xf32, #tpu.memory_space<vmem>>)
    %dma_start3A_119 = arith.constant 157 : i32
    %dma_start3A_120 = arith.constant 0 : i32
    %dma_start3A_121 = tpu.memref_slice %arg6[%dma_start3A_119, %dma_start3A_120] : memref<160x128xi32, #tpu.memory_space<vmem>> -> memref<1x128xi32, #tpu.memory_space<vmem>>
    %dma_start3A_122 = tpu.memref_squeeze %dma_start3A_121 : memref<1x128xi32, #tpu.memory_space<vmem>> -> memref<128xi32, #tpu.memory_space<vmem>>
    %dma_start3A_123 = arith.constant 0 : i32
    %dma_start3A_124 = arith.constant 0 : i32
    %dma_start3A_125 = tpu.memref_slice %arg13[%dma_start3A_123, %dma_start3A_124] : memref<10240x64xf32, #tpu.memory_space<vmem_shared>> -> memref<10240x64xf32, #tpu.memory_space<vmem_shared>>
    tpu.enqueue_indirect_dma source(%arg9 : memref<128x64xf32, #tpu.memory_space<vmem>>) target(%dma_start3A_125 : memref<10240x64xf32, #tpu.memory_space<vmem_shared>>) offsets(%dma_start3A_122 : memref<128xi32, #tpu.memory_space<vmem>>) semaphore(%arg21 : memref<!tpu.dma_semaphore, #tpu.memory_space<semaphore_mem>>) {add = true}
    %dma_wait3A_126 = arith.constant 158 : i32
    %dma_wait3A_127 = arith.constant 0 : i32
    %dma_wait3A_128 = tpu.memref_slice %arg5[%dma_wait3A_126, %dma_wait3A_127] : memref<160x128xi32, #tpu.memory_space<vmem>> -> memref<1x128xi32, #tpu.memory_space<vmem>>
    %dma_wait3A_129 = tpu.memref_squeeze %dma_wait3A_128 : memref<1x128xi32, #tpu.memory_space<vmem>> -> memref<128xi32, #tpu.memory_space<vmem>>
    %dma_wait3A_130 = arith.constant 0 : i32
    %dma_wait3A_131 = arith.constant 0 : i32
    %dma_wait3A_132 = tpu.memref_slice %arg2[%arg0, %dma_wait3A_130, %dma_wait3A_131] : memref<2x10240x64xf32, #tpu.memory_space<hbm>> -> memref<1x10240x64xf32, #tpu.memory_space<hbm>>
    %dma_wait3A_133 = tpu.memref_squeeze %dma_wait3A_132 : memref<1x10240x64xf32, #tpu.memory_space<hbm>> -> memref<10240x64xf32, #tpu.memory_space<hbm>>
    %dma_wait3A_134 = arith.constant 0 : i32
    %dma_wait3A_135 = arith.constant 0 : i32
    %dma_wait3A_136 = tpu.memref_slice %dma_wait3A_133[%dma_wait3A_134, %dma_wait3A_135] : memref<10240x64xf32, #tpu.memory_space<hbm>> -> memref<10240x64xf32, #tpu.memory_space<hbm>>
    tpu.wait_indirect_dma semaphore(%arg17 : memref<!tpu.dma_semaphore, #tpu.memory_space<semaphore_mem>>) src(%dma_wait3A_136 : memref<10240x64xf32, #tpu.memory_space<hbm>>) dst(%arg10 : memref<128x64xf32, #tpu.memory_space<vmem>>)
    %dma_start3A_137 = arith.constant 158 : i32
    %dma_start3A_138 = arith.constant 0 : i32
    %dma_start3A_139 = tpu.memref_slice %arg6[%dma_start3A_137, %dma_start3A_138] : memref<160x128xi32, #tpu.memory_space<vmem>> -> memref<1x128xi32, #tpu.memory_space<vmem>>
    %dma_start3A_140 = tpu.memref_squeeze %dma_start3A_139 : memref<1x128xi32, #tpu.memory_space<vmem>> -> memref<128xi32, #tpu.memory_space<vmem>>
    %dma_start3A_141 = arith.constant 0 : i32
    %dma_start3A_142 = arith.constant 0 : i32
    %dma_start3A_143 = tpu.memref_slice %arg13[%dma_start3A_141, %dma_start3A_142] : memref<10240x64xf32, #tpu.memory_space<vmem_shared>> -> memref<10240x64xf32, #tpu.memory_space<vmem_shared>>
    tpu.enqueue_indirect_dma source(%arg10 : memref<128x64xf32, #tpu.memory_space<vmem>>) target(%dma_start3A_143 : memref<10240x64xf32, #tpu.memory_space<vmem_shared>>) offsets(%dma_start3A_140 : memref<128xi32, #tpu.memory_space<vmem>>) semaphore(%arg22 : memref<!tpu.dma_semaphore, #tpu.memory_space<semaphore_mem>>) {add = true}
    %dma_wait3A_144 = arith.constant 159 : i32
    %dma_wait3A_145 = arith.constant 0 : i32
    %dma_wait3A_146 = tpu.memref_slice %arg5[%dma_wait3A_144, %dma_wait3A_145] : memref<160x128xi32, #tpu.memory_space<vmem>> -> memref<1x128xi32, #tpu.memory_space<vmem>>
    %dma_wait3A_147 = tpu.memref_squeeze %dma_wait3A_146 : memref<1x128xi32, #tpu.memory_space<vmem>> -> memref<128xi32, #tpu.memory_space<vmem>>
    %dma_wait3A_148 = arith.constant 0 : i32
    %dma_wait3A_149 = arith.constant 0 : i32
    %dma_wait3A_150 = tpu.memref_slice %arg2[%arg0, %dma_wait3A_148, %dma_wait3A_149] : memref<2x10240x64xf32, #tpu.memory_space<hbm>> -> memref<1x10240x64xf32, #tpu.memory_space<hbm>>
    %dma_wait3A_151 = tpu.memref_squeeze %dma_wait3A_150 : memref<1x10240x64xf32, #tpu.memory_space<hbm>> -> memref<10240x64xf32, #tpu.memory_space<hbm>>
    %dma_wait3A_152 = arith.constant 0 : i32
    %dma_wait3A_153 = arith.constant 0 : i32
    %dma_wait3A_154 = tpu.memref_slice %dma_wait3A_151[%dma_wait3A_152, %dma_wait3A_153] : memref<10240x64xf32, #tpu.memory_space<hbm>> -> memref<10240x64xf32, #tpu.memory_space<hbm>>
    tpu.wait_indirect_dma semaphore(%arg18 : memref<!tpu.dma_semaphore, #tpu.memory_space<semaphore_mem>>) src(%dma_wait3A_154 : memref<10240x64xf32, #tpu.memory_space<hbm>>) dst(%arg11 : memref<128x64xf32, #tpu.memory_space<vmem>>)
    %dma_start3A_155 = arith.constant 159 : i32
    %dma_start3A_156 = arith.constant 0 : i32
    %dma_start3A_157 = tpu.memref_slice %arg6[%dma_start3A_155, %dma_start3A_156] : memref<160x128xi32, #tpu.memory_space<vmem>> -> memref<1x128xi32, #tpu.memory_space<vmem>>
    %dma_start3A_158 = tpu.memref_squeeze %dma_start3A_157 : memref<1x128xi32, #tpu.memory_space<vmem>> -> memref<128xi32, #tpu.memory_space<vmem>>
    %dma_start3A_159 = arith.constant 0 : i32
    %dma_start3A_160 = arith.constant 0 : i32
    %dma_start3A_161 = tpu.memref_slice %arg13[%dma_start3A_159, %dma_start3A_160] : memref<10240x64xf32, #tpu.memory_space<vmem_shared>> -> memref<10240x64xf32, #tpu.memory_space<vmem_shared>>
    tpu.enqueue_indirect_dma source(%arg11 : memref<128x64xf32, #tpu.memory_space<vmem>>) target(%dma_start3A_161 : memref<10240x64xf32, #tpu.memory_space<vmem_shared>>) offsets(%dma_start3A_158 : memref<128xi32, #tpu.memory_space<vmem>>) semaphore(%arg23 : memref<!tpu.dma_semaphore, #tpu.memory_space<semaphore_mem>>) {add = true}
    %dma_wait3A_162 = arith.constant 155 : i32
    %dma_wait3A_163 = arith.constant 0 : i32
    %dma_wait3A_164 = tpu.memref_slice %arg6[%dma_wait3A_162, %dma_wait3A_163] : memref<160x128xi32, #tpu.memory_space<vmem>> -> memref<1x128xi32, #tpu.memory_space<vmem>>
    %dma_wait3A_165 = tpu.memref_squeeze %dma_wait3A_164 : memref<1x128xi32, #tpu.memory_space<vmem>> -> memref<128xi32, #tpu.memory_space<vmem>>
    %dma_wait3A_166 = arith.constant 0 : i32
    %dma_wait3A_167 = arith.constant 0 : i32
    %dma_wait3A_168 = tpu.memref_slice %arg13[%dma_wait3A_166, %dma_wait3A_167] : memref<10240x64xf32, #tpu.memory_space<vmem_shared>> -> memref<10240x64xf32, #tpu.memory_space<vmem_shared>>
    tpu.wait_indirect_dma semaphore(%arg19 : memref<!tpu.dma_semaphore, #tpu.memory_space<semaphore_mem>>) src(%arg7 : memref<128x64xf32, #tpu.memory_space<vmem>>) dst(%dma_wait3A_168 : memref<10240x64xf32, #tpu.memory_space<vmem_shared>>)
    %dma_wait3A_169 = arith.constant 156 : i32
    %dma_wait3A_170 = arith.constant 0 : i32
    %dma_wait3A_171 = tpu.memref_slice %arg6[%dma_wait3A_169, %dma_wait3A_170] : memref<160x128xi32, #tpu.memory_space<vmem>> -> memref<1x128xi32, #tpu.memory_space<vmem>>
    %dma_wait3A_172 = tpu.memref_squeeze %dma_wait3A_171 : memref<1x128xi32, #tpu.memory_space<vmem>> -> memref<128xi32, #tpu.memory_space<vmem>>
    %dma_wait3A_173 = arith.constant 0 : i32
    %dma_wait3A_174 = arith.constant 0 : i32
    %dma_wait3A_175 = tpu.memref_slice %arg13[%dma_wait3A_173, %dma_wait3A_174] : memref<10240x64xf32, #tpu.memory_space<vmem_shared>> -> memref<10240x64xf32, #tpu.memory_space<vmem_shared>>
    tpu.wait_indirect_dma semaphore(%arg20 : memref<!tpu.dma_semaphore, #tpu.memory_space<semaphore_mem>>) src(%arg8 : memref<128x64xf32, #tpu.memory_space<vmem>>) dst(%dma_wait3A_175 : memref<10240x64xf32, #tpu.memory_space<vmem_shared>>)
    %dma_wait3A_176 = arith.constant 157 : i32
    %dma_wait3A_177 = arith.constant 0 : i32
    %dma_wait3A_178 = tpu.memref_slice %arg6[%dma_wait3A_176, %dma_wait3A_177] : memref<160x128xi32, #tpu.memory_space<vmem>> -> memref<1x128xi32, #tpu.memory_space<vmem>>
    %dma_wait3A_179 = tpu.memref_squeeze %dma_wait3A_178 : memref<1x128xi32, #tpu.memory_space<vmem>> -> memref<128xi32, #tpu.memory_space<vmem>>
    %dma_wait3A_180 = arith.constant 0 : i32
    %dma_wait3A_181 = arith.constant 0 : i32
    %dma_wait3A_182 = tpu.memref_slice %arg13[%dma_wait3A_180, %dma_wait3A_181] : memref<10240x64xf32, #tpu.memory_space<vmem_shared>> -> memref<10240x64xf32, #tpu.memory_space<vmem_shared>>
    tpu.wait_indirect_dma semaphore(%arg21 : memref<!tpu.dma_semaphore, #tpu.memory_space<semaphore_mem>>) src(%arg9 : memref<128x64xf32, #tpu.memory_space<vmem>>) dst(%dma_wait3A_182 : memref<10240x64xf32, #tpu.memory_space<vmem_shared>>)
    %dma_wait3A_183 = arith.constant 158 : i32
    %dma_wait3A_184 = arith.constant 0 : i32
    %dma_wait3A_185 = tpu.memref_slice %arg6[%dma_wait3A_183, %dma_wait3A_184] : memref<160x128xi32, #tpu.memory_space<vmem>> -> memref<1x128xi32, #tpu.memory_space<vmem>>
    %dma_wait3A_186 = tpu.memref_squeeze %dma_wait3A_185 : memref<1x128xi32, #tpu.memory_space<vmem>> -> memref<128xi32, #tpu.memory_space<vmem>>
    %dma_wait3A_187 = arith.constant 0 : i32
    %dma_wait3A_188 = arith.constant 0 : i32
    %dma_wait3A_189 = tpu.memref_slice %arg13[%dma_wait3A_187, %dma_wait3A_188] : memref<10240x64xf32, #tpu.memory_space<vmem_shared>> -> memref<10240x64xf32, #tpu.memory_space<vmem_shared>>
    tpu.wait_indirect_dma semaphore(%arg22 : memref<!tpu.dma_semaphore, #tpu.memory_space<semaphore_mem>>) src(%arg10 : memref<128x64xf32, #tpu.memory_space<vmem>>) dst(%dma_wait3A_189 : memref<10240x64xf32, #tpu.memory_space<vmem_shared>>)
    %dma_wait3A_190 = arith.constant 159 : i32
    %dma_wait3A_191 = arith.constant 0 : i32
    %dma_wait3A_192 = tpu.memref_slice %arg6[%dma_wait3A_190, %dma_wait3A_191] : memref<160x128xi32, #tpu.memory_space<vmem>> -> memref<1x128xi32, #tpu.memory_space<vmem>>
    %dma_wait3A_193 = tpu.memref_squeeze %dma_wait3A_192 : memref<1x128xi32, #tpu.memory_space<vmem>> -> memref<128xi32, #tpu.memory_space<vmem>>
    %dma_wait3A_194 = arith.constant 0 : i32
    %dma_wait3A_195 = arith.constant 0 : i32
    %dma_wait3A_196 = tpu.memref_slice %arg13[%dma_wait3A_194, %dma_wait3A_195] : memref<10240x64xf32, #tpu.memory_space<vmem_shared>> -> memref<10240x64xf32, #tpu.memory_space<vmem_shared>>
    tpu.wait_indirect_dma semaphore(%arg23 : memref<!tpu.dma_semaphore, #tpu.memory_space<semaphore_mem>>) src(%arg11 : memref<128x64xf32, #tpu.memory_space<vmem>>) dst(%dma_wait3A_196 : memref<10240x64xf32, #tpu.memory_space<vmem_shared>>)
    %barrier3A_197 = arith.constant 0 : index
    tpu.barrier barrier_id(%barrier3A_197)
    %mul3A_198 = arith.constant 640 : i32
    %mul3A_199 = arith.muli %arg1, %mul3A_198 : i32
    %mul3A_200 = arith.constant 640 : i32
    %mul3A_201 = arith.muli %arg1, %mul3A_200 : i32
    "tpu.region"() ({
      %run_scoped3A_202 = tpu.sem_alloc : memref<!tpu.dma_semaphore, #tpu.memory_space<semaphore_mem>>
      %dma_start3A_203 = arith.constant 0 : i32
      %dma_start3A_204 = tpu.memref_slice %arg4[%arg0, %mul3A_201, %dma_start3A_203] : memref<2x10240x64xf32, #tpu.memory_space<hbm>> -> memref<1x640x64xf32, #tpu.memory_space<hbm>>
      %dma_start3A_205 = tpu.memref_squeeze %dma_start3A_204 : memref<1x640x64xf32, #tpu.memory_space<hbm>> -> memref<640x64xf32, #tpu.memory_space<hbm>>
      %dma_start3A_206 = arith.constant 0 : i32
      %dma_start3A_207 = tpu.memref_slice %arg13[%mul3A_199, %dma_start3A_206] : memref<10240x64xf32, #tpu.memory_space<vmem_shared>> -> memref<640x64xf32, #tpu.memory_space<vmem_shared>>
      tpu.enqueue_dma source(%dma_start3A_207 : memref<640x64xf32, #tpu.memory_space<vmem_shared>>) target(%dma_start3A_205 : memref<640x64xf32, #tpu.memory_space<hbm>>) target_semaphore(%run_scoped3A_202 : memref<!tpu.dma_semaphore, #tpu.memory_space<semaphore_mem>>)
      %dma_wait3A_208 = arith.constant 0 : i32
      %dma_wait3A_209 = tpu.memref_slice %arg4[%arg0, %mul3A_201, %dma_wait3A_208] : memref<2x10240x64xf32, #tpu.memory_space<hbm>> -> memref<1x640x64xf32, #tpu.memory_space<hbm>>
      %dma_wait3A_210 = tpu.memref_squeeze %dma_wait3A_209 : memref<1x640x64xf32, #tpu.memory_space<hbm>> -> memref<640x64xf32, #tpu.memory_space<hbm>>
      %dma_wait3A_211 = arith.constant 0 : i32
      %dma_wait3A_212 = tpu.memref_slice %arg13[%mul3A_199, %dma_wait3A_211] : memref<10240x64xf32, #tpu.memory_space<vmem_shared>> -> memref<640x64xf32, #tpu.memory_space<vmem_shared>>
      tpu.wait_dma2 semaphore(%run_scoped3A_202 : memref<!tpu.dma_semaphore, #tpu.memory_space<semaphore_mem>>) src(%dma_wait3A_212 : memref<640x64xf32, #tpu.memory_space<vmem_shared>>) dst(%dma_wait3A_210 : memref<640x64xf32, #tpu.memory_space<hbm>>)
      tpu.yield
    }) : () -> ()
    return
  }
}

module attributes {stable_mosaic.version = 14 : i64} {
  func.func @_tc_feat_body(%arg0: i32, %arg1: memref<1024x128xf32, #tpu.memory_space<vmem>>, %arg2: memref<32x1024xf32, #tpu.memory_space<vmem>>, %arg3: memref<2x1024x64xf32, #tpu.memory_space<vmem>>) attributes {dimension_semantics = [#tpu.dimension_semantics<arbitrary>], iteration_bounds = array<i64: 10>, scalar_prefetch = 0 : i64, scratch_operands = 0 : i64, tpu.core_type = #tpu.core_type<tc>, window_params = [{transform_indices = @transform_0, window_bounds = array<i64: 1024, 128>}, {transform_indices = @transform_1, window_bounds = array<i64: 32, 1024>}, {transform_indices = @transform_2, window_bounds = array<i64: 2, 1024, 64>}]} {
    %get3A = arith.constant 0 : index
    %get3A_0 = arith.constant 0 : index
    %get3A_1 = vector.load %arg2[%get3A, %get3A_0] : memref<32x1024xf32, #tpu.memory_space<vmem>>, vector<32x1024xf32>
    %reduce_sum3A = arith.constant dense<0.000000e+00> : vector<1024xf32>
    %reduce_sum3A_2 = vector.multi_reduction <add>, %get3A_1, %reduce_sum3A [0] : vector<32x1024xf32> to vector<1024xf32>
    %max3A = arith.constant 1.000000e+00 : f32
    %max3A_3 = vector.broadcast %max3A : f32 to vector<1024xf32>
    %max3A_4 = arith.maximumf %reduce_sum3A_2, %max3A_3 : vector<1024xf32>
    %rsqrt3A = math.rsqrt %max3A_4 : vector<1024xf32>
    %get3A_5 = arith.constant 0 : index
    %get3A_6 = arith.constant 0 : index
    %get3A_7 = vector.load %arg1[%get3A_5, %get3A_6] : memref<1024x128xf32, #tpu.memory_space<vmem>>, vector<1024x128xf32>
    %broadcast_in_dim3A = vector.shape_cast %rsqrt3A : vector<1024xf32> to vector<1024x1xf32>
    %mul3A = vector.broadcast %broadcast_in_dim3A : vector<1024x1xf32> to vector<1024x128xf32>
    %mul3A_8 = arith.mulf %get3A_7, %mul3A : vector<1024x128xf32>
    %slice3A = vector.extract_strided_slice %mul3A_8 {offsets = [0, 0], sizes = [1024, 64], strides = [1, 1]} : vector<1024x128xf32> to vector<1024x64xf32>
    %swap3A = arith.constant 0 : index
    %swap3A_9 = arith.constant 0 : index
    %swap3A_10 = arith.constant 0 : index
    %swap3A_11 = vector.load %arg3[%swap3A, %swap3A_9, %swap3A_10] : memref<2x1024x64xf32, #tpu.memory_space<vmem>>, vector<1x1024x64xf32>
    %swap3A_12 = vector.shape_cast %swap3A_11 : vector<1x1024x64xf32> to vector<1024x64xf32>
    %swap3A_13 = vector.shape_cast %slice3A : vector<1024x64xf32> to vector<1x1024x64xf32>
    tpu.vector_store %arg3[%swap3A, %swap3A_9, %swap3A_10], %swap3A_13 {strides = array<i32>} : memref<2x1024x64xf32, #tpu.memory_space<vmem>>, vector<1x1024x64xf32>,
    %slice3A_14 = vector.extract_strided_slice %mul3A_8 {offsets = [0, 64], sizes = [1024, 64], strides = [1, 1]} : vector<1024x128xf32> to vector<1024x64xf32>
    %swap3A_15 = arith.constant 1 : index
    %swap3A_16 = arith.constant 0 : index
    %swap3A_17 = arith.constant 0 : index
    %swap3A_18 = vector.load %arg3[%swap3A_15, %swap3A_16, %swap3A_17] : memref<2x1024x64xf32, #tpu.memory_space<vmem>>, vector<1x1024x64xf32>
    %swap3A_19 = vector.shape_cast %swap3A_18 : vector<1x1024x64xf32> to vector<1024x64xf32>
    %swap3A_20 = vector.shape_cast %slice3A_14 : vector<1024x64xf32> to vector<1x1024x64xf32>
    tpu.vector_store %arg3[%swap3A_15, %swap3A_16, %swap3A_17], %swap3A_20 {strides = array<i32>} : memref<2x1024x64xf32, #tpu.memory_space<vmem>>, vector<1x1024x64xf32>,
    return
  }
  func.func @transform_0(%arg0: i32) -> (i32, i32) {
    %c0_i32 = arith.constant 0 : i32
    %c0_i32_0 = arith.constant 0 : i32
    return %arg0, %c0_i32 : i32, i32
  }
  func.func @transform_1(%arg0: i32) -> (i32, i32) {
    %c0_i32 = arith.constant 0 : i32
    %c0_i32_0 = arith.constant 0 : i32
    return %c0_i32, %arg0 : i32, i32
  }
  func.func @transform_2(%arg0: i32) -> (i32, i32, i32) {
    %c0_i32 = arith.constant 0 : i32
    %c0_i32_0 = arith.constant 0 : i32
    %c0_i32_1 = arith.constant 0 : i32
    return %c0_i32, %arg0, %c0_i32_0 : i32, i32, i32
  }
}

module attributes {stable_mosaic.version = 14 : i64} {
  func.func @_tc_out_body(%arg0: i32, %arg1: memref<2x1024x64xf32, #tpu.memory_space<vmem>>, %arg2: memref<32x1024xf32, #tpu.memory_space<vmem>>, %arg3: memref<128x128xf32, #tpu.memory_space<vmem>>, %arg4: memref<1x128xf32, #tpu.memory_space<vmem>>, %arg5: memref<1024x128xf32, #tpu.memory_space<vmem>>) attributes {dimension_semantics = [#tpu.dimension_semantics<arbitrary>], iteration_bounds = array<i64: 10>, scalar_prefetch = 0 : i64, scratch_operands = 0 : i64, tpu.core_type = #tpu.core_type<tc>, window_params = [{transform_indices = @transform_0, window_bounds = array<i64: 2, 1024, 64>}, {transform_indices = @transform_1, window_bounds = array<i64: 32, 1024>}, {pipeline_mode = #tpu.pipeline_mode<synchronous>, transform_indices = @transform_2, window_bounds = array<i64: 128, 128>}, {pipeline_mode = #tpu.pipeline_mode<synchronous>, transform_indices = @transform_3, window_bounds = array<i64: 1, 128>}, {transform_indices = @transform_4, window_bounds = array<i64: 1024, 128>}]} {
    %get3A = arith.constant 0 : index
    %get3A_0 = arith.constant 0 : index
    %get3A_1 = vector.load %arg2[%get3A, %get3A_0] : memref<32x1024xf32, #tpu.memory_space<vmem>>, vector<32x1024xf32>
    %reduce_sum3A = arith.constant dense<0.000000e+00> : vector<1024xf32>
    %reduce_sum3A_2 = vector.multi_reduction <add>, %get3A_1, %reduce_sum3A [0] : vector<32x1024xf32> to vector<1024xf32>
    %max3A = arith.constant 1.000000e+00 : f32
    %max3A_3 = vector.broadcast %max3A : f32 to vector<1024xf32>
    %max3A_4 = arith.maximumf %reduce_sum3A_2, %max3A_3 : vector<1024xf32>
    %rsqrt3A = math.rsqrt %max3A_4 : vector<1024xf32>
    %get3A_5 = arith.constant 0 : index
    %get3A_6 = arith.constant 0 : index
    %get3A_7 = arith.constant 0 : index
    %get3A_8 = vector.load %arg1[%get3A_5, %get3A_6, %get3A_7] : memref<2x1024x64xf32, #tpu.memory_space<vmem>>, vector<1x1024x64xf32>
    %get3A_9 = vector.shape_cast %get3A_8 : vector<1x1024x64xf32> to vector<1024x64xf32>
    %broadcast_in_dim3A = vector.shape_cast %rsqrt3A : vector<1024xf32> to vector<1024x1xf32>
    %mul3A = vector.broadcast %broadcast_in_dim3A : vector<1024x1xf32> to vector<1024x64xf32>
    %mul3A_10 = arith.mulf %get3A_9, %mul3A : vector<1024x64xf32>
    %get3A_11 = arith.constant 1 : index
    %get3A_12 = arith.constant 0 : index
    %get3A_13 = arith.constant 0 : index
    %get3A_14 = vector.load %arg1[%get3A_11, %get3A_12, %get3A_13] : memref<2x1024x64xf32, #tpu.memory_space<vmem>>, vector<1x1024x64xf32>
    %get3A_15 = vector.shape_cast %get3A_14 : vector<1x1024x64xf32> to vector<1024x64xf32>
    %broadcast_in_dim3A_16 = vector.shape_cast %rsqrt3A : vector<1024xf32> to vector<1024x1xf32>
    %mul3A_17 = vector.broadcast %broadcast_in_dim3A_16 : vector<1024x1xf32> to vector<1024x64xf32>
    %mul3A_18 = arith.mulf %get3A_15, %mul3A_17 : vector<1024x64xf32>
    %get3A_19 = arith.constant 0 : index
    %get3A_20 = arith.constant 0 : index
    %get3A_21 = vector.load %arg3[%get3A_19, %get3A_20] : memref<128x128xf32, #tpu.memory_space<vmem>>, vector<128x128xf32>
    %slice3A = vector.extract_strided_slice %get3A_21 {offsets = [0, 0], sizes = [64, 128], strides = [1, 1]} : vector<128x128xf32> to vector<64x128xf32>
    %dot_general3A = arith.constant dense<0.000000e+00> : vector<1024x128xf32>
    %dot_general3A_22 = tpu.matmul %mul3A_10, %slice3A, %dot_general3A {dimension_numbers = #tpu.dot_dimension_numbers<[1], [0], [0], [1], [0, 0, 1, 1], [], []>, transpose_lhs_hint = false} : vector<1024x64xf32>, vector<64x128xf32>, vector<1024x128xf32> -> vector<1024x128xf32>
    %slice3A_23 = vector.extract_strided_slice %get3A_21 {offsets = [64, 0], sizes = [64, 128], strides = [1, 1]} : vector<128x128xf32> to vector<64x128xf32>
    %dot_general3A_24 = arith.constant dense<0.000000e+00> : vector<1024x128xf32>
    %dot_general3A_25 = tpu.matmul %mul3A_18, %slice3A_23, %dot_general3A_24 {dimension_numbers = #tpu.dot_dimension_numbers<[1], [0], [0], [1], [0, 0, 1, 1], [], []>, transpose_lhs_hint = false} : vector<1024x64xf32>, vector<64x128xf32>, vector<1024x128xf32> -> vector<1024x128xf32>
    %add3A = arith.addf %dot_general3A_22, %dot_general3A_25 : vector<1024x128xf32>
    %get3A_26 = arith.constant 0 : index
    %get3A_27 = arith.constant 0 : index
    %get3A_28 = vector.load %arg4[%get3A_26, %get3A_27] : memref<1x128xf32, #tpu.memory_space<vmem>>, vector<1x128xf32>
    %add3A_29 = vector.broadcast %get3A_28 : vector<1x128xf32> to vector<1024x128xf32>
    %add3A_30 = arith.addf %add3A, %add3A_29 : vector<1024x128xf32>
    %reduce_max3A = arith.constant dense<0xFF800000> : vector<1024xf32>
    %reduce_max3A_31 = vector.multi_reduction <maximumf>, %add3A_30, %reduce_max3A [1] : vector<1024x128xf32> to vector<1024xf32>
    %broadcast_in_dim3A_32 = vector.shape_cast %reduce_max3A_31 : vector<1024xf32> to vector<1024x1xf32>
    %sub3A = vector.broadcast %broadcast_in_dim3A_32 : vector<1024x1xf32> to vector<1024x128xf32>
    %sub3A_33 = arith.subf %add3A_30, %sub3A : vector<1024x128xf32>
    %exp3A = math.exp %sub3A_33 : vector<1024x128xf32>
    %reduce_sum3A_34 = arith.constant dense<0.000000e+00> : vector<1024xf32>
    %reduce_sum3A_35 = vector.multi_reduction <add>, %exp3A, %reduce_sum3A_34 [1] : vector<1024x128xf32> to vector<1024xf32>
    %broadcast_in_dim3A_36 = vector.shape_cast %reduce_sum3A_35 : vector<1024xf32> to vector<1024x1xf32>
    %log3A = math.log %broadcast_in_dim3A_36 : vector<1024x1xf32>
    %sub3A_37 = vector.broadcast %log3A : vector<1024x1xf32> to vector<1024x128xf32>
    %sub3A_38 = arith.subf %sub3A_33, %sub3A_37 : vector<1024x128xf32>
    %swap3A = arith.constant 0 : index
    %swap3A_39 = arith.constant 0 : index
    %swap3A_40 = vector.load %arg5[%swap3A, %swap3A_39] : memref<1024x128xf32, #tpu.memory_space<vmem>>, vector<1024x128xf32>
    tpu.vector_store %arg5[%swap3A, %swap3A_39], %sub3A_38 {strides = array<i32>} : memref<1024x128xf32, #tpu.memory_space<vmem>>, vector<1024x128xf32>,
    return
  }
  func.func @transform_0(%arg0: i32) -> (i32, i32, i32) {
    %c0_i32 = arith.constant 0 : i32
    %c0_i32_0 = arith.constant 0 : i32
    %c0_i32_1 = arith.constant 0 : i32
    return %c0_i32, %arg0, %c0_i32_0 : i32, i32, i32
  }
  func.func @transform_1(%arg0: i32) -> (i32, i32) {
    %c0_i32 = arith.constant 0 : i32
    %c0_i32_0 = arith.constant 0 : i32
    return %c0_i32, %arg0 : i32, i32
  }
  func.func @transform_2(%arg0: i32) -> (i32, i32) {
    %c0_i32 = arith.constant 0 : i32
    %c0_i32_0 = arith.constant 0 : i32
    %c0_i32_1 = arith.constant 0 : i32
    return %c0_i32, %c0_i32_0 : i32, i32
  }
  func.func @transform_3(%arg0: i32) -> (i32, i32) {
    %c0_i32 = arith.constant 0 : i32
    %c0_i32_0 = arith.constant 0 : i32
    %c0_i32_1 = arith.constant 0 : i32
    return %c0_i32, %c0_i32_0 : i32, i32
  }
  func.func @transform_4(%arg0: i32) -> (i32, i32) {
    %c0_i32 = arith.constant 0 : i32
    %c0_i32_0 = arith.constant 0 : i32
    return %arg0, %c0_i32 : i32, i32
  }
}

</mosaic_0001>

<sc_bundles>
// kernel: kernel.6.cloned.1.call-start
scs
__scs_entry_jumppad:
0x0: {  	(pc) =	sbr.rel $0x88, $3  }
0x1: {  	(tag) =	ssettag $0x0;
	lr =	simm.s32 $0x1  }
0x2: {  	[smem:$0x3F9D] =	sst lr;
	_ =	strace $0xD0000000  }
0x3: {  	_ = 	snop  }
0x4: {  	_ = 	snop  }
0x5: {  	_ = 	snop  }
0x6: {  	_ = 	snop  }
0x7: {  	_ = 	snop  }
__scs_overlays_trampoline_lowered:
0x8: {  	[smem:$0x3FAC] =	sst s0  }
0x9: {  	[smem:$0x3FAD] =	sst s1  }
0xa: {  	[smem:$0x3FAE] =	sst s2  }
0xb: {  	[smem:$0x3FAF] =	sst s3  }
0xc: {  	[smem:$0x3FB0] =	sst s4  }
0xd: {  	[smem:$0x3FB1] =	sst s5  }
0xe: {  	[smem:$0x3FB2] =	sst s6  }
0xf: {  	[smem:$0x3FB3] =	sst s7  }
0x10: {  	[smem:$0x3FB4] =	sst s8  }
0x11: {  	[smem:$0x3FB5] =	sst s9;
	s0 =	simm.s32 @!p0 $0x0  }
0x12: {  	s1 =	sld [smem:$0x3F9B];
	s0 =	simm.s32 @p0 $0x1  }
0x13: {  	[smem:$0x3FB6] =	sst s0;
	s0 =	simm.s32 @!p1 $0x0  }
0x14: {  	s2 =	sld [smem:$0x3F9A];
	s0 =	simm.s32 @p1 $0x1  }
0x15: {  	[smem:$0x3FB7] =	sst s0;
	s0 =	simm.s32 @!p2 $0x0  }
0x16: {  	s3 =	sld [smem:$0x3FDB];
	s0 =	simm.s32 @p2 $0x1  }
0x17: {  	s4 =	simm.s32 $0x1BF5;
	[smem:$0x3FB9] =	sst s0  }
0x18: {  	s0 =	sld [smem:$0x3F9C];
	_ =	swait.ge [sflag:s4], $0x0  }
0x19: {  	s7 =	sld [smem:$0x3F9D]  }
0x1a: {  	s8 =	sadd.s32 $0xFFFFE003, lr  }
0x1b: {  	s9 =	sadd.s32 $0xFFFFFEF7, lr;
	s5 =	simm.s32 $0xFFFFFFFF;
	p2 =	slt.u32 s8, $0xFFFFF086  }
0x1c: {  	p1 =	slt.u32 s9, $0xF7A;
	s5 =	simm.s32 @!p2 $0x0  }
0x1d: {  	s5 =	simm.s32 @p1 $0x1;
	p0 =	seq.s32 s7, s2  }
0x1e: {  	s7 =	smul.u32 @!p0 $0xF7A, s2;
	p2 =	seq.s32 @!p0 s5, $0x0  }
0x1f: {  	s9 =	smul.u32 $0xF7A, s1;
	s8 =	simm.s32 @!p0 $0x1BF5;
	p2 =	por !p2, p0  }
0x20: {  	[sflag:s8] =	ssyncset.s32 @!p0 $0xFFFFF086;
	s6 =	sadd.s32 @!p0 s3, s7;
	s7 =	simm.s32 @!p0 $0x108  }
0x21: {  	s3 =	sadd.s32 s3, s9;
	s6 =	sadd.s32 @!p0 $0x88, s6;
	s7 =	simm.s32 @p2 $0x1082  }
0x22: {  	[simem:s7], [sflag:s8] =	dma.local @!p0 [hbm:s6], $0xF7A  }
0x23: {  	s9 =	sor.u32 $0xD0000000, s2;
	s6 =	simm.s32 $0x108;
	_ =	swait.ge @!p0 [sflag:s8], $0x0  }
0x24: {  	s3 =	sadd.s32 $0x88, s3;
	s6 =	simm.s32 @!p1 $0x1082;
	[sflag:s4] =	ssyncset.s32 $0xFFFFF086  }
0x25: {  	[simem:s6], [sflag:s4] =	dma.local [hbm:s3], $0xF7A  }
0x26: {  	[smem:$0x3F9D] =	sst s1;
	(tag) =	ssettag s2;
	_ =	strace s9  }
0x27: {  	s1 =	sld [smem:$0x3FAD]  }
0x28: {  	s2 =	sld [smem:$0x3FAE]  }
0x29: {  	s4 =	sld [smem:$0x3FB0]  }
0x2a: {  	p0 =	seq.s32 s5, $0x0;
	s5 =	sld [smem:$0x3FB1]  }
0x2b: {  	s6 =	sld [smem:$0x3FB2]  }
0x2c: {  	s7 =	sld [smem:$0x3FB3]  }
0x2d: {  	s3 =	simm.s32 $0x108;
	s8 =	sld [smem:$0x3FB4]  }
0x2e: {  	s3 =	simm.s32 @!p0 $0x1082;
	s9 =	sld [smem:$0x3FB5]  }
0x2f: {  	lr =	sadd.s32 s0, s3;
	s0 =	sld [smem:$0x3FAC]  }
0x30: {  	s3 =	sld [smem:$0x3FAF]  }
0x31: {  	[smem:$0x3FB8] =	sst s10  }
0x32: {  	s10 =	sld [smem:$0x3FB6];
	_ =	sdelay $0x3  }
0x33: {  	p0 =	seq.s32 s10, $0x1;
	s10 =	sld [smem:$0x3FB8];
	_ =	sdelay $0x3  }
0x34: {  	[smem:$0x3FB8] =	sst s10  }
0x35: {  	s10 =	sld [smem:$0x3FB7];
	_ =	sdelay $0x3  }
0x36: {  	p1 =	seq.s32 s10, $0x1;
	s10 =	sld [smem:$0x3FB8];
	_ =	sdelay $0x3  }
0x37: {  	[smem:$0x3FB8] =	sst s10  }
0x38: {  	s10 =	sld [smem:$0x3FB9]  }
0x39: {  	_ = 	snop;
	(pc) =	sbr.ind lr, $3  }
0x3a: {  	_ = 	snop  }
0x3b: {  	_ = 	snop  }
0x3c: {  	p2 =	seq.s32 s10, $0x1;
	s10 =	sld [smem:$0x3FB8]  }
0x3d: {  	_ =	shalt  }
0x3e: {  	_ =	shalt  }
0x3f: {  	_ =	shalt  }
0x40: {  	_ =	shalt  }
0x41: {  	_ =	shalt  }
0x42: {  	_ =	shalt  }
0x43: {  	_ =	shalt  }
0x44: {  	_ =	shalt  }
0x45: {  	_ =	shalt  }
0x46: {  	_ =	shalt  }
0x47: {  	_ =	shalt  }
0x48: {  	_ =	shalt  }
0x49: {  	_ =	shalt  }
0x4a: {  	_ =	shalt  }
0x4b: {  	_ =	shalt  }
0x4c: {  	_ =	shalt  }
0x4d: {  	_ =	shalt  }
0x4e: {  	_ =	shalt  }
0x4f: {  	_ =	shalt  }
0x50: {  	_ =	shalt  }
0x51: {  	_ =	shalt  }
0x52: {  	_ =	shalt  }
0x53: {  	_ =	shalt  }
0x54: {  	_ =	shalt  }
0x55: {  	_ =	shalt  }
0x56: {  	_ =	shalt  }
0x57: {  	_ =	shalt  }
0x58: {  	_ =	shalt  }
0x59: {  	_ =	shalt  }
0x5a: {  	_ =	shalt  }
0x5b: {  	_ =	shalt  }
0x5c: {  	_ =	shalt  }
0x5d: {  	_ =	shalt  }
0x5e: {  	_ =	shalt  }
0x5f: {  	_ =	shalt  }
0x60: {  	_ =	shalt  }
0x61: {  	_ =	shalt  }
0x62: {  	_ =	shalt  }
0x63: {  	_ =	shalt  }
0x64: {  	_ =	shalt  }
0x65: {  	_ =	shalt  }
0x66: {  	_ =	shalt  }
0x67: {  	_ =	shalt  }
0x68: {  	_ =	shalt  }
0x69: {  	_ =	shalt  }
0x6a: {  	_ =	shalt  }
0x6b: {  	_ =	shalt  }
0x6c: {  	_ =	shalt  }
0x6d: {  	_ =	shalt  }
0x6e: {  	_ =	shalt  }
0x6f: {  	_ =	shalt  }
0x70: {  	_ =	shalt  }
0x71: {  	_ =	shalt  }
0x72: {  	_ =	shalt  }
0x73: {  	_ =	shalt  }
0x74: {  	_ =	shalt  }
0x75: {  	_ =	shalt  }
0x76: {  	_ =	shalt  }
0x77: {  	_ =	shalt  }
0x78: {  	_ =	shalt  }
0x79: {  	_ =	shalt  }
0x7a: {  	_ =	shalt  }
0x7b: {  	_ =	shalt  }
0x7c: {  	_ =	shalt  }
0x7d: {  	_ =	shalt  }
0x7e: {  	_ =	shalt  }
0x7f: {  	_ =	shalt  }
0x80: {  	_ =	shalt  }
0x81: {  	_ =	shalt  }
0x82: {  	_ =	shalt  }
0x83: {  	_ =	shalt  }
0x84: {  	_ =	shalt  }
0x85: {  	_ =	shalt  }
0x86: {  	_ =	shalt  }
0x87: {  	_ =	shalt  }
.Lfunc_end0:
.L_simem_size_0:
called_computation_lowered:
.L_overlay_start_0:
0x88: {  	s2 =	sld [smem:$0x3FD9]  }
0x89: {  	s3 =	sld [smem:$0x3FFE];
	_ =	sdelay $0x1  }
0x8a: {  	s1 =	srdreg.scid  }
0x8b: {  	s0 =	sand.u32 $0x1, s1  }
0x8c: {  	s17 =	sshll.u32 s0, $0xA;
	s2 =	sadd.s32 s3, s2  }
0x8d: {  	s2 =	sadd.s32 s2, s17  }
0x8e: {  	[smem:$0x3FC4] =	sst s2  }
0x8f: {  	_ = 	snop  }
0x90: {  	s2 =	sld [smem:$0x3FD0];
	(tm) =	ssettm $0x1  }
0x91: {  	s18 =	sld [smem:$0x3FFB];
	_ =	sdelay $0x3  }
0x92: {  	_ =	strace s18  }
0x93: {  	s3 =	sld [smem:$0x3FFC];
	_ =	sdelay $0x3  }
0x94: {  	_ =	strace s3  }
0x95: {  	s3 =	sld [smem:$0x3FFD];
	_ =	sdelay $0x3  }
0x96: {  	_ =	strace s3  }
0x97: {  	_ =	strace $0x8FFFFFFF  }
0x98: {  	s19 =	sld [smem:$0x3FDB];
	_ =	sdelay $0x1  }
0x99: {  	s4 =	simm.s32 $_scs_section_size  }
0x9a: {  	s5 =	simm.s32 $_size__tile_overlayer_lowered;
	s6 =	simm.s32 $_tile_overlayer_lowered  }
0x9b: {  	s22 =	simm.s32 $0x1BFF;
	s21 =	sshll.u32 s6, $0x1;
	s3 =	sadd.s32 s4, s19  }
0x9c: {  	s7 =	simm.s32 $0x0;
	s20 =	sshll.u32 s5, $0x1;
	s5 =	sadd.s32 s21, s3  }
0x9d: {  	[timem:s7], [sflag:s22] =	dma.local [hbm:s5], s20  }
0x9e: {  	_ =	swait.ge [sflag:s22], s20  }
0x9f: {  	s4 =	ssub.s32 $0x0, s20;
	[sflag:s22] =	ssyncset.done $0x0  }
0xa0: {  	[sflag:s22] =	ssyncadd.s32 s4;
	_ =	sdelay $0x1  }
0xa1: {  	s23 =	simm.s32 $0x1B8B  }
0xa2: {  	_ =	swait.ge [sflag:s23], $0x1  }
0xa3: {  	[sflag:s23] =	ssyncset.done $0x0  }
0xa4: {  	s25 =	simm.s32 $0x1B8E;
	s24 =	sld [smem:$0x3FFE];
	[sflag:s23] =	ssyncadd.s32 $0xFFFFFFFF  }
0xa5: {  	s26 =	simm.s32 $execute0_lowered;
	[smem:$0x3FD2] =	sst s25  }
0xa6: {  	s5 =	sshll.u32 s26, $0x1;
	_ =	strace $0x80000046;
	[dreg:$0x1] =	wrdreg $0xFFFFFFFF  }
0xa7: {  	s28 =	simm.s32 $_size_execute0_lowered;
	s3 =	sadd.s32 s3, s5;
	[dreg:$0x0] =	wrdreg $0x0  }
0xa8: {  	s5 =	sshll.u32 s28, $0x1;
	[dreg:$0x2] =	wrdreg s3  }
0xa9: {  	[dreg:$0x3] =	wrdreg s5  }
0xaa: {  	[dreg:$0x4] =	wrdreg $0xC0  }
0xab: {  	_ =	task [dreg:s7], $0x5FFFF  }
0xac: {  	[dreg:$0x1] =	wrdreg $0xFFFFFFFF  }
0xad: {  	[dreg:$0x0] =	wrdreg $0x60  }
0xae: {  	[dreg:$0x2] =	wrdreg s2  }
0xaf: {  	[dreg:$0x3] =	wrdreg s24  }
0xb0: {  	[dreg:$0x4] =	wrdreg $0x9  }
0xb1: {  	_ =	task.clear_ibuf [dreg:s7], $0x5FFFF;
	_ =	strace $0x90000046  }
0xb2: {  	s29 =	simm.s32 $0x9;
	_ =	strace $0x80000048  }
0xb3: {  	_ =	swait.ge [sflag:s29], $0x1  }
0xb4: {  	[sflag:s29] =	ssyncadd.s32 $0xFFFFFFFF  }
0xb5: {  	_ =	strace $0x90000048  }
0xb6: {  	_ =	sfence  }
0xb7: {  	s30 =	sld [smem:$0x0];
	_ =	sdelay $0x2  }
0xb8: {  	s31 =	sshll.u32 s1, $0xD;
	s1 =	sshrl.u32 s1, $0x2  }
0xb9: {  	s3 =	sand.u32 $0x4000, s31;
	s1 =	sadd.s32 s1, s30  }
0xba: {  	s0 =	sor.u32 s3, s0;
	s1 =	sshll.u32 s1, $0x11  }
0xbb: {  	s0 =	sor.u32 s1, s0  }
0xbc: {  	s0 =	sadd.s32 $0x8F2B, s0  }
0xbd: {  	[sflag:s0] =	ssyncadd.remote.s32 $0x1  }
0xbe: {  	_ =	sfence.sel $0xFFFF  }
0xbf: {  	[dreg:$0x0] =	wrdreg $0xFFFFFFFF;
	(pc) =	sbr.abs _section_cstart, $3  }
0xc0: {  	[dreg:$0x1] =	wrdreg $0xFFFFFFFF  }
0xc1: {  	_ =	task.clear_ibuf [dreg:s7], $0x2FFFF;
	_ =	strace $0x9FFFFFFF  }
0xc2: {  	(tm) =	ssettm $0x7FFFFFFF  }
0xc3: {  	_ =	shalt  }
tec
execute0_lowered:
.L_overlay_start_1:
0x0: {  	(tag) =	ssettag $0x1  }
0x1: {  	s0 =	srdreg.scid;
	s4 =	rddreg [dreg:$0x0]  }
0x2: {  	s5 =	rddreg [dreg:$0x1];
	s3 =	sand.u32 $0x1, s0  }
0x3: {  	s2 =	simm.s32 $0x0;
	s0 =	stileid.u32;
	s1 =	sshll.u32 s3, $0x4  }
0x4: {  	s9 =	simm.s32 $0x2800;
	s10 =	simm.s32 $0x5000;
	s6 =	sor.u32 s0, s1  }
0x5: {  	s11 =	simm.s32 $0x7800;
	s12 =	simm.s32 $0x0;
	s7 =	smul.u32 $0x2800, s6  }
0x6: {  	[smem:$0x7FF] =	sst s2;
	s3 =	ssub.s32 $0x2, s3;
	s6 =	smul.u32 $0x500, s6  }
0x7: {  	s1 =	rddreg [dreg:$0x2];
	_ =	strace $0x80000047;
	s8 =	sshrl.u32 s3, $0x1  }
0x8: {  	s8 =	ssub.s32 s3, s8;
	s7 =	sshrl.u32 s7, $0x3;
	s6 =	sadd.s32 s6, s5  }
0x9: {  	s3 =	sadd.s32 s4, s7;
	s5 =	sadd.s32 $0x1A00, s6;
	s6 =	sadd.s32 $0xBA00, s6  }
0xa: {  	v0 =	vimm.f32 $0.0e+00;
	v1 =	vimm.f32 $1.000000000e+00;
	s7 =	smax.u32 s8, $0x1;
	s8 =	simm.s32 $0x1;
	s4 =	sadd.s32 $0xA000, s3  }
.LBB2_1:
0xb: {  	[tilespmem:s2], [sflag:$0x1] =	stream.linear.gather [hbm4b:s3+s2], $0x2800, $0x38;
	[tilespmem:$0xA000] =	vst v63  }
0xc: {  	_ =	swait.ge [sflag:s8], $0x2800  }
0xd: {  	[sflag:s8] =	ssyncset.done $0x0  }
0xe: {  	[sflag:s8] =	ssyncadd.s32 $0xFFFFD800  }
0xf: {  	[tilespmem:s9], [sflag:$0x1] =	stream.linear.gather [hbm4b:s4+s2], $0x2800, $0x38;
	[tilespmem:$0xA000] =	vst v63  }
0x10: {  	_ =	swait.ge [sflag:s8], $0x2800  }
0x11: {  	[sflag:s8] =	ssyncset.done $0x0  }
0x12: {  	s13 =	simm.s32 $0x0;
	s14 =	simm.s32 $0x100;
	[sflag:s8] =	ssyncadd.s32 $0xFFFFD800  }
.LBB2_2:
0x13: {  	p0 =	sne.s32 s14, $0x9F00;
	[tilespmem:s13+$0x7830] =	vst v0  }
0x14: {  	[tilespmem:s13+$0x5000] =	vst v0  }
0x15: {  	[tilespmem:s13+$0x7800] =	vst v0  }
.Ltmp0:
0x16: {  	[tilespmem:s13+$0x5010] =	vst v0;
	(pc) =	sbr.rel @p0 .LBB2_2-.Ltmp0, $4  }
0x17: {  	[tilespmem:s13+$0x7810] =	vst v0  }
0x18: {  	[tilespmem:s13+$0x5020] =	vst v0  }
0x19: {  	[tilespmem:s13+$0x7820] =	vst v0  }
0x1a: {  	[tilespmem:s13+$0x5030] =	vst v0;
	s13 =	sshra.s32 s14, $0x2;
	s14 =	sadd.s32 $0x100, s14  }
0x1b: {  	[tilespmem:s13+$0x7830] =	vst v0  }
0x1c: {  	[tilespmem:s13+$0x5000] =	vst v0  }
0x1d: {  	[tilespmem:s13+$0x7800] =	vst v0  }
0x1e: {  	[tilespmem:s13+$0x5010] =	vst v0  }
0x1f: {  	[tilespmem:s13+$0x7810] =	vst v0  }
0x20: {  	[tilespmem:s13+$0x5020] =	vst v0  }
0x21: {  	[tilespmem:s13+$0x7820] =	vst v0  }
0x22: {  	[tilespmem:s13+$0x5030] =	vst v0;
	s13 =	simm.s32 $0x0  }
.LBB2_4:
0x23: {  	s14 =	sshra.s32 s13, $0x2  }
0x24: {  	v2 =	vld [tilespmem:s14+$0x0];
	_ =	sdelay $0x7  }
0x25: {  	[tilespmem:v2+s10+$0x0] =	vst.idx.add.f32.msk $0xffff, v1  }
0x26: {  	v2 =	vld [tilespmem:s14+$0x2800];
	_ =	sdelay $0x7  }
0x27: {  	[tilespmem:v2+s11+$0x0] =	vst.idx.add.f32.msk $0xffff, v1  }
0x28: {  	v2 =	vld [tilespmem:s14+$0x10];
	_ =	sdelay $0x7  }
0x29: {  	[tilespmem:v2+s10+$0x0] =	vst.idx.add.f32.msk $0xffff, v1  }
0x2a: {  	v2 =	vld [tilespmem:s14+$0x2810];
	_ =	sdelay $0x7  }
0x2b: {  	[tilespmem:v2+s11+$0x0] =	vst.idx.add.f32.msk $0xffff, v1  }
0x2c: {  	v2 =	vld [tilespmem:s14+$0x20];
	_ =	sdelay $0x7  }
0x2d: {  	[tilespmem:v2+s10+$0x0] =	vst.idx.add.f32.msk $0xffff, v1  }
0x2e: {  	v2 =	vld [tilespmem:s14+$0x2820];
	_ =	sdelay $0x7  }
0x2f: {  	[tilespmem:v2+s11+$0x0] =	vst.idx.add.f32.msk $0xffff, v1  }
0x30: {  	v2 =	vld [tilespmem:s14+$0x30];
	_ =	sdelay $0x7  }
0x31: {  	[tilespmem:v2+s10+$0x0] =	vst.idx.add.f32.msk $0xffff, v1  }
0x32: {  	v2 =	vld [tilespmem:s14+$0x2830];
	_ =	sdelay $0x7  }
0x33: {  	[tilespmem:v2+s11+$0x0] =	vst.idx.add.f32.msk $0xffff, v1  }
0x34: {  	v2 =	vld [tilespmem:s14+$0x40];
	_ =	sdelay $0x7  }
0x35: {  	[tilespmem:v2+s10+$0x0] =	vst.idx.add.f32.msk $0xffff, v1  }
0x36: {  	v2 =	vld [tilespmem:s14+$0x2840];
	_ =	sdelay $0x7  }
0x37: {  	[tilespmem:v2+s11+$0x0] =	vst.idx.add.f32.msk $0xffff, v1  }
0x38: {  	v2 =	vld [tilespmem:s14+$0x50];
	_ =	sdelay $0x7  }
0x39: {  	[tilespmem:v2+s10+$0x0] =	vst.idx.add.f32.msk $0xffff, v1  }
0x3a: {  	v2 =	vld [tilespmem:s14+$0x2850];
	_ =	sdelay $0x7  }
0x3b: {  	[tilespmem:v2+s11+$0x0] =	vst.idx.add.f32.msk $0xffff, v1  }
0x3c: {  	v2 =	vld [tilespmem:s14+$0x60];
	_ =	sdelay $0x7  }
0x3d: {  	[tilespmem:v2+s10+$0x0] =	vst.idx.add.f32.msk $0xffff, v1  }
0x3e: {  	v2 =	vld [tilespmem:s14+$0x2860];
	_ =	sdelay $0x7  }
0x3f: {  	[tilespmem:v2+s11+$0x0] =	vst.idx.add.f32.msk $0xffff, v1  }
0x40: {  	v2 =	vld [tilespmem:s14+$0x70];
	_ =	sdelay $0x7  }
0x41: {  	[tilespmem:v2+s10+$0x0] =	vst.idx.add.f32.msk $0xffff, v1  }
0x42: {  	v2 =	vld [tilespmem:s14+$0x2870];
	_ =	sdelay $0x2  }
0x43: {  	p0 =	sne.s32 s13, $0x9E00  }
.Ltmp1:
0x44: {  	_ = 	snop;
	(pc) =	sbr.rel @p0 .LBB2_4-.Ltmp1, $2  }
0x45: {  	_ =	sdelay $0x2  }
0x46: {  	s13 =	sadd.s32 $0x200, s13;
	[tilespmem:v2+s11+$0x0] =	vst.idx.add.f32.msk $0xffff, v1  }
0x47: {  	[hbm4b:s5+s2] =	stream.linear.scatter [tilespmem:s10], [sflag:$0x1], $0x2800, $0x38;
	[tilespmem:$0xA000] =	vst v63  }
0x48: {  	s12 =	sadd.s32 $0x1, s12;
	_ =	swait.ge [sflag:s8], $0x2800  }
0x49: {  	p0 =	sne.s32 s12, s7;
	[sflag:s8] =	ssyncset.done $0x0  }
.Ltmp2:
0x4a: {  	[sflag:s8] =	ssyncadd.s32 $0xFFFFD800;
	(pc) =	sbr.rel @p0 .LBB2_1-.Ltmp2, $4  }
0x4b: {  	[hbm4b:s6+s2] =	stream.linear.scatter [tilespmem:s11], [sflag:$0x1], $0x2800, $0x38;
	[tilespmem:$0xA000] =	vst v63  }
0x4c: {  	_ =	swait.ge [sflag:s8], $0x2800  }
0x4d: {  	[sflag:s8] =	ssyncset.done $0x0  }
0x4e: {  	[sflag:s8] =	ssyncadd.s32 $0xFFFFD800  }
0x4f: {  	_ =	sfence.sel $0x180000  }
0x50: {  	[bflag:$0x0] =	sbarrier.arrive $0xFFFF  }
0x51: {  	p0 =	sne.s32 s0, $0x0;
	_ =	strace $0x90000047  }
0x52: {  	s0 =	sadd.s32 @!p0 $0x100000, s1;
	[bflag:$0x2] =	sbarrier.arrive $0xFFFF  }
0x53: {  	[sflag:s0] =	ssyncadd.tile.s32 @!p0 $0x1;
	_ =	shalt  }
.Lfunc_end2:
_tile_overlayer_lowered:
.L_overlay_start_2:
0x54: {  	(tag) =	ssettag $0x2  }
0x55: {  	s0 =	rddreg [dreg:$0x0];
	s2 =	stileid.u32  }
0x56: {  	s1 =	rddreg [dreg:$0x1];
	p0 =	sne.s32 s2, $0x0  }
0x57: {  	s3 =	rddreg [dreg:$0x2];
	[bflag:$0x3] =	sbarrier.arrive $0xFFFF;
	s2 =	simm.s32 @!p0 $0x1C01  }
0x58: {  	[timem:s3], [sflag:s2] =	dma.local @!p0 [hbm:s0], s1  }
0x59: {  	s0 =	simm.s32 @!p0 $0x1  }
0x5a: {  	_ =	swait.ge @!p0 [sflag:s0], s1  }
0x5b: {  	s1 =	ssub.s32 @!p0 $0x0, s1;
	[sflag:s0] =	ssyncset.done @!p0 $0x0  }
0x5c: {  	[sflag:s0] =	ssyncadd.s32 @!p0 s1  }
0x5d: {  	[bflag:$0x3] =	sbarrier.arrive $0xFFFF  }
0x5e: {  	_ =	shalt  }

// kernel: kernel.9.cloned.1.call-start
scs
__scs_entry_jumppad:
0x0: {  	(pc) =	sbr.rel $0x88, $3  }
0x1: {  	(tag) =	ssettag $0x0;
	lr =	simm.s32 $0x1  }
0x2: {  	[smem:$0x3F9D] =	sst lr;
	_ =	strace $0xD0000000  }
0x3: {  	_ = 	snop  }
0x4: {  	_ = 	snop  }
0x5: {  	_ = 	snop  }
0x6: {  	_ = 	snop  }
0x7: {  	_ = 	snop  }
__scs_overlays_trampoline_lowered:
0x8: {  	[smem:$0x3FAC] =	sst s0  }
0x9: {  	[smem:$0x3FAD] =	sst s1  }
0xa: {  	[smem:$0x3FAE] =	sst s2  }
0xb: {  	[smem:$0x3FAF] =	sst s3  }
0xc: {  	[smem:$0x3FB0] =	sst s4  }
0xd: {  	[smem:$0x3FB1] =	sst s5  }
0xe: {  	[smem:$0x3FB2] =	sst s6  }
0xf: {  	[smem:$0x3FB3] =	sst s7  }
0x10: {  	[smem:$0x3FB4] =	sst s8  }
0x11: {  	[smem:$0x3FB5] =	sst s9;
	s0 =	simm.s32 @!p0 $0x0  }
0x12: {  	s1 =	sld [smem:$0x3F9B];
	s0 =	simm.s32 @p0 $0x1  }
0x13: {  	[smem:$0x3FB6] =	sst s0;
	s0 =	simm.s32 @!p1 $0x0  }
0x14: {  	s2 =	sld [smem:$0x3F9A];
	s0 =	simm.s32 @p1 $0x1  }
0x15: {  	[smem:$0x3FB7] =	sst s0;
	s0 =	simm.s32 @!p2 $0x0  }
0x16: {  	s3 =	sld [smem:$0x3FDB];
	s0 =	simm.s32 @p2 $0x1  }
0x17: {  	s4 =	simm.s32 $0x1BF5;
	[smem:$0x3FB9] =	sst s0  }
0x18: {  	s0 =	sld [smem:$0x3F9C];
	_ =	swait.ge [sflag:s4], $0x0  }
0x19: {  	s7 =	sld [smem:$0x3F9D]  }
0x1a: {  	s8 =	sadd.s32 $0xFFFFE003, lr  }
0x1b: {  	s9 =	sadd.s32 $0xFFFFFEF7, lr;
	s5 =	simm.s32 $0xFFFFFFFF;
	p2 =	slt.u32 s8, $0xFFFFF086  }
0x1c: {  	p1 =	slt.u32 s9, $0xF7A;
	s5 =	simm.s32 @!p2 $0x0  }
0x1d: {  	s5 =	simm.s32 @p1 $0x1;
	p0 =	seq.s32 s7, s2  }
0x1e: {  	s7 =	smul.u32 @!p0 $0xF7A, s2;
	p2 =	seq.s32 @!p0 s5, $0x0  }
0x1f: {  	s9 =	smul.u32 $0xF7A, s1;
	s8 =	simm.s32 @!p0 $0x1BF5;
	p2 =	por !p2, p0  }
0x20: {  	[sflag:s8] =	ssyncset.s32 @!p0 $0xFFFFF086;
	s6 =	sadd.s32 @!p0 s3, s7;
	s7 =	simm.s32 @!p0 $0x108  }
0x21: {  	s3 =	sadd.s32 s3, s9;
	s6 =	sadd.s32 @!p0 $0x88, s6;
	s7 =	simm.s32 @p2 $0x1082  }
0x22: {  	[simem:s7], [sflag:s8] =	dma.local @!p0 [hbm:s6], $0xF7A  }
0x23: {  	s9 =	sor.u32 $0xD0000000, s2;
	s6 =	simm.s32 $0x108;
	_ =	swait.ge @!p0 [sflag:s8], $0x0  }
0x24: {  	s3 =	sadd.s32 $0x88, s3;
	s6 =	simm.s32 @!p1 $0x1082;
	[sflag:s4] =	ssyncset.s32 $0xFFFFF086  }
0x25: {  	[simem:s6], [sflag:s4] =	dma.local [hbm:s3], $0xF7A  }
0x26: {  	[smem:$0x3F9D] =	sst s1;
	(tag) =	ssettag s2;
	_ =	strace s9  }
0x27: {  	s1 =	sld [smem:$0x3FAD]  }
0x28: {  	s2 =	sld [smem:$0x3FAE]  }
0x29: {  	s4 =	sld [smem:$0x3FB0]  }
0x2a: {  	p0 =	seq.s32 s5, $0x0;
	s5 =	sld [smem:$0x3FB1]  }
0x2b: {  	s6 =	sld [smem:$0x3FB2]  }
0x2c: {  	s7 =	sld [smem:$0x3FB3]  }
0x2d: {  	s3 =	simm.s32 $0x108;
	s8 =	sld [smem:$0x3FB4]  }
0x2e: {  	s3 =	simm.s32 @!p0 $0x1082;
	s9 =	sld [smem:$0x3FB5]  }
0x2f: {  	lr =	sadd.s32 s0, s3;
	s0 =	sld [smem:$0x3FAC]  }
0x30: {  	s3 =	sld [smem:$0x3FAF]  }
0x31: {  	[smem:$0x3FB8] =	sst s10  }
0x32: {  	s10 =	sld [smem:$0x3FB6];
	_ =	sdelay $0x3  }
0x33: {  	p0 =	seq.s32 s10, $0x1;
	s10 =	sld [smem:$0x3FB8];
	_ =	sdelay $0x3  }
0x34: {  	[smem:$0x3FB8] =	sst s10  }
0x35: {  	s10 =	sld [smem:$0x3FB7];
	_ =	sdelay $0x3  }
0x36: {  	p1 =	seq.s32 s10, $0x1;
	s10 =	sld [smem:$0x3FB8];
	_ =	sdelay $0x3  }
0x37: {  	[smem:$0x3FB8] =	sst s10  }
0x38: {  	s10 =	sld [smem:$0x3FB9]  }
0x39: {  	_ = 	snop;
	(pc) =	sbr.ind lr, $3  }
0x3a: {  	_ = 	snop  }
0x3b: {  	_ = 	snop  }
0x3c: {  	p2 =	seq.s32 s10, $0x1;
	s10 =	sld [smem:$0x3FB8]  }
0x3d: {  	_ =	shalt  }
0x3e: {  	_ =	shalt  }
0x3f: {  	_ =	shalt  }
0x40: {  	_ =	shalt  }
0x41: {  	_ =	shalt  }
0x42: {  	_ =	shalt  }
0x43: {  	_ =	shalt  }
0x44: {  	_ =	shalt  }
0x45: {  	_ =	shalt  }
0x46: {  	_ =	shalt  }
0x47: {  	_ =	shalt  }
0x48: {  	_ =	shalt  }
0x49: {  	_ =	shalt  }
0x4a: {  	_ =	shalt  }
0x4b: {  	_ =	shalt  }
0x4c: {  	_ =	shalt  }
0x4d: {  	_ =	shalt  }
0x4e: {  	_ =	shalt  }
0x4f: {  	_ =	shalt  }
0x50: {  	_ =	shalt  }
0x51: {  	_ =	shalt  }
0x52: {  	_ =	shalt  }
0x53: {  	_ =	shalt  }
0x54: {  	_ =	shalt  }
0x55: {  	_ =	shalt  }
0x56: {  	_ =	shalt  }
0x57: {  	_ =	shalt  }
0x58: {  	_ =	shalt  }
0x59: {  	_ =	shalt  }
0x5a: {  	_ =	shalt  }
0x5b: {  	_ =	shalt  }
0x5c: {  	_ =	shalt  }
0x5d: {  	_ =	shalt  }
0x5e: {  	_ =	shalt  }
0x5f: {  	_ =	shalt  }
0x60: {  	_ =	shalt  }
0x61: {  	_ =	shalt  }
0x62: {  	_ =	shalt  }
0x63: {  	_ =	shalt  }
0x64: {  	_ =	shalt  }
0x65: {  	_ =	shalt  }
0x66: {  	_ =	shalt  }
0x67: {  	_ =	shalt  }
0x68: {  	_ =	shalt  }
0x69: {  	_ =	shalt  }
0x6a: {  	_ =	shalt  }
0x6b: {  	_ =	shalt  }
0x6c: {  	_ =	shalt  }
0x6d: {  	_ =	shalt  }
0x6e: {  	_ =	shalt  }
0x6f: {  	_ =	shalt  }
0x70: {  	_ =	shalt  }
0x71: {  	_ =	shalt  }
0x72: {  	_ =	shalt  }
0x73: {  	_ =	shalt  }
0x74: {  	_ =	shalt  }
0x75: {  	_ =	shalt  }
0x76: {  	_ =	shalt  }
0x77: {  	_ =	shalt  }
0x78: {  	_ =	shalt  }
0x79: {  	_ =	shalt  }
0x7a: {  	_ =	shalt  }
0x7b: {  	_ =	shalt  }
0x7c: {  	_ =	shalt  }
0x7d: {  	_ =	shalt  }
0x7e: {  	_ =	shalt  }
0x7f: {  	_ =	shalt  }
0x80: {  	_ =	shalt  }
0x81: {  	_ =	shalt  }
0x82: {  	_ =	shalt  }
0x83: {  	_ =	shalt  }
0x84: {  	_ =	shalt  }
0x85: {  	_ =	shalt  }
0x86: {  	_ =	shalt  }
0x87: {  	_ =	shalt  }
.Lfunc_end0:
.L_simem_size_0:
called_computation.1_lowered:
.L_overlay_start_0:
0x88: {  	s2 =	sld [smem:$0x3FD9]  }
0x89: {  	s3 =	sld [smem:$0x3FFE];
	_ =	sdelay $0x1  }
0x8a: {  	s1 =	srdreg.scid  }
0x8b: {  	s0 =	sand.u32 $0x1, s1  }
0x8c: {  	s17 =	sshll.u32 s0, $0xA;
	s2 =	sadd.s32 s3, s2  }
0x8d: {  	s2 =	sadd.s32 s2, s17  }
0x8e: {  	[smem:$0x3FC4] =	sst s2  }
0x8f: {  	_ = 	snop  }
0x90: {  	s2 =	sld [smem:$0x3FD0];
	(tm) =	ssettm $0x1  }
0x91: {  	s18 =	sld [smem:$0x3FFB];
	_ =	sdelay $0x3  }
0x92: {  	_ =	strace s18  }
0x93: {  	s3 =	sld [smem:$0x3FFC];
	_ =	sdelay $0x3  }
0x94: {  	_ =	strace s3  }
0x95: {  	s3 =	sld [smem:$0x3FFD];
	_ =	sdelay $0x3  }
0x96: {  	_ =	strace s3  }
0x97: {  	_ =	strace $0x8FFFFFFF  }
0x98: {  	s19 =	sld [smem:$0x3FDB];
	_ =	sdelay $0x1  }
0x99: {  	s4 =	simm.s32 $_scs_section_size  }
0x9a: {  	s5 =	simm.s32 $_size__tile_overlayer_lowered;
	s6 =	simm.s32 $_tile_overlayer_lowered  }
0x9b: {  	s22 =	simm.s32 $0x1BFF;
	s21 =	sshll.u32 s6, $0x1;
	s3 =	sadd.s32 s4, s19  }
0x9c: {  	s7 =	simm.s32 $0x0;
	s20 =	sshll.u32 s5, $0x1;
	s5 =	sadd.s32 s21, s3  }
0x9d: {  	[timem:s7], [sflag:s22] =	dma.local [hbm:s5], s20  }
0x9e: {  	_ =	swait.ge [sflag:s22], s20  }
0x9f: {  	s4 =	ssub.s32 $0x0, s20;
	[sflag:s22] =	ssyncset.done $0x0  }
0xa0: {  	[sflag:s22] =	ssyncadd.s32 s4;
	_ =	sdelay $0x1  }
0xa1: {  	s23 =	simm.s32 $0x1B8B  }
0xa2: {  	_ =	swait.ge [sflag:s23], $0x1  }
0xa3: {  	[sflag:s23] =	ssyncset.done $0x0  }
0xa4: {  	s25 =	simm.s32 $0x1B8E;
	s24 =	sld [smem:$0x3FFE];
	[sflag:s23] =	ssyncadd.s32 $0xFFFFFFFF  }
0xa5: {  	s26 =	simm.s32 $execute0_lowered;
	[smem:$0x3FD2] =	sst s25  }
0xa6: {  	s5 =	sshll.u32 s26, $0x1;
	_ =	strace $0x80000049;
	[dreg:$0x1] =	wrdreg $0xFFFFFFFF  }
0xa7: {  	s28 =	simm.s32 $_size_execute0_lowered;
	s3 =	sadd.s32 s3, s5;
	[dreg:$0x0] =	wrdreg $0x0  }
0xa8: {  	s5 =	sshll.u32 s28, $0x1;
	[dreg:$0x2] =	wrdreg s3  }
0xa9: {  	[dreg:$0x3] =	wrdreg s5  }
0xaa: {  	[dreg:$0x4] =	wrdreg $0xC0  }
0xab: {  	_ =	task [dreg:s7], $0x5FFFF  }
0xac: {  	[dreg:$0x1] =	wrdreg $0xFFFFFFFF  }
0xad: {  	[dreg:$0x0] =	wrdreg $0x60  }
0xae: {  	[dreg:$0x2] =	wrdreg s24  }
0xaf: {  	[dreg:$0x3] =	wrdreg s2  }
0xb0: {  	[dreg:$0x4] =	wrdreg $0x160000  }
0xb1: {  	[dreg:$0x5] =	wrdreg $0x9  }
0xb2: {  	_ =	task.clear_ibuf [dreg:s7], $0x6FFFF;
	_ =	strace $0x90000049  }
0xb3: {  	s29 =	simm.s32 $0x9;
	_ =	strace $0x8000004B  }
0xb4: {  	_ =	swait.ge [sflag:s29], $0x1  }
0xb5: {  	[sflag:s29] =	ssyncadd.s32 $0xFFFFFFFF  }
0xb6: {  	_ =	strace $0x9000004B  }
0xb7: {  	_ =	sfence  }
0xb8: {  	s30 =	sld [smem:$0x0];
	_ =	sdelay $0x2  }
0xb9: {  	s31 =	sshll.u32 s1, $0xD;
	s1 =	sshrl.u32 s1, $0x2  }
0xba: {  	s3 =	sand.u32 $0x4000, s31;
	s1 =	sadd.s32 s1, s30  }
0xbb: {  	s0 =	sor.u32 s3, s0;
	s1 =	sshll.u32 s1, $0x11  }
0xbc: {  	s0 =	sor.u32 s1, s0  }
0xbd: {  	s0 =	sadd.s32 $0x8F2B, s0  }
0xbe: {  	[sflag:s0] =	ssyncadd.remote.s32 $0x1  }
0xbf: {  	_ =	sfence.sel $0xFFFF  }
0xc0: {  	[dreg:$0x0] =	wrdreg $0xFFFFFFFF;
	(pc) =	sbr.abs _section_cstart, $3  }
0xc1: {  	[dreg:$0x1] =	wrdreg $0xFFFFFFFF  }
0xc2: {  	_ =	task.clear_ibuf [dreg:s7], $0x2FFFF;
	_ =	strace $0x9FFFFFFF  }
0xc3: {  	(tm) =	ssettm $0x7FFFFFFF  }
tec
execute0_lowered:
.L_overlay_start_1:
0x0: {  	(tag) =	ssettag $0x1  }
0x1: {  	s0 =	rddreg [dreg:$0x0]  }
0x2: {  	s2 =	rddreg [dreg:$0x1]  }
0x3: {  	s1 =	rddreg [dreg:$0x2]  }
0x4: {  	s3 =	srdreg.scid;
	s5 =	simm.s32 $0x0;
	s8 =	stileid.u32  }
0x5: {  	s14 =	simm.s32 $0xB;
	s16 =	simm.s32 $0x14000;
	s17 =	simm.s32 $0x80  }
0x6: {  	s18 =	simm.s32 $0xA000;
	s19 =	simm.s32 $0xC000;
	s28 =	simm.s32 $0x1  }
0x7: {  	s29 =	simm.s32 $0x2;
	s30 =	simm.s32 $0x3;
	s21 =	smul.u32 $0xA000, s8  }
0x8: {  	s31 =	simm.s32 $0x4;
	s15 =	simm.s32 $0x6;
	s22 =	smul.u32 $0x5000, s8  }
0x9: {  	s20 =	simm.s32 $0x8;
	s3 =	sand.u32 $0x1, s3;
	s8 =	smul.u32 $0x28000, s8  }
0xa: {  	[smem:$0x7FF] =	sst s5;
	s4 =	smul.u32 $0xA0000, s3;
	s3 =	ssub.s32 $0x2, s3  }
0xb: {  	_ =	strace $0x8000004A;
	s23 =	sshrl.u32 s3, $0x1;
	s24 =	sshrl.u32 s8, $0x2  }
0xc: {  	s25 =	sadd.s32 s21, s1;
	s6 =	sshrl.u32 s4, $0x3;
	s4 =	sadd.s32 s21, s4  }
0xd: {  	s3 =	ssub.s32 s3, s23;
	s21 =	simm.s32 $0xE000;
	s23 =	simm.s32 $0x10000  }
0xe: {  	s25 =	sshrl.u32 s25, $0x3;
	s7 =	sadd.s32 s6, s0;
	s4 =	sshrl.u32 s4, $0x3  }
0xf: {  	s6 =	sshrl.u32 s22, $0x3;
	s26 =	smax.u32 s3, $0x1;
	s22 =	simm.s32 $0x9  }
0x10: {  	s3 =	simm.s32 $0x0;
	s0 =	sadd.s32 s4, s0;
	s4 =	sadd.s32 s2, s6  }
0x11: {  	s7 =	sadd.s32 $0x15A00, s7;
	[dreg:$0x6] =	wrdreg s26;
	s6 =	sadd.s32 $0xA000, s4  }
0x12: {  	s26 =	simm.s32 $0x12000;
	s0 =	sadd.s32 $0x3DA00, s0;
	[dreg:$0x4] =	wrdreg s6  }
0x13: {  	s2 =	simm.s32 $0x7;
	s6 =	sadd.s32 s24, s1;
	[dreg:$0x5] =	wrdreg s0  }
0x14: {  	s0 =	simm.s32 $0x5;
	s24 =	simm.s32 $0xA;
	s10 =	sadd.s32 $0x2000, s6  }
0x15: {  	v0 =	vimm.f32 $0.0e+00;
	s11 =	sadd.s32 $0x4000, s6;
	s12 =	sadd.s32 $0x6000, s6;
	s13 =	sadd.s32 $0x8000, s6  }
.LBB2_1:
0x16: {  	s5 =	simm.s32 $0x0  }
0x17: {  	[tilespmem:s5], [sflag:$0xB] =	stream.linear.gather [hbm4b:s4+s5], $0x5000, $0x38;
	v63 =	vld [tilespmem:$0x0]  }
0x18: {  	_ =	swait.ge [sflag:s14], $0x5000  }
0x19: {  	[sflag:s14] =	ssyncset.done $0x0  }
0x1a: {  	s9 =	simm.s32 $0x5000;
	s8 =	rddreg [dreg:$0x4];
	[sflag:s14] =	ssyncadd.s32 $0xFFFFB000  }
0x1b: {  	[tilespmem:s9], [sflag:$0xB] =	stream.linear.gather [hbm4b:s8+s5], $0x5000, $0x38;
	v63 =	vld [tilespmem:$0x0]  }
0x1c: {  	_ =	swait.ge [sflag:s14], $0x5000  }
0x1d: {  	[sflag:s14] =	ssyncset.done $0x0  }
0x1e: {  	s8 =	simm.s32 $0x100;
	s5 =	simm.s32 $0x0;
	[sflag:s14] =	ssyncadd.s32 $0xFFFFB000  }
.LBB2_2:
0x1f: {  	p0 =	sne.s32 s8, $0x7F00;
	[tilespmem:s5+$0x14030] =	vst v0;
	s9 =	smov.u32 s8;
	s8 =	sadd.s32 $0x100, s8  }
.Ltmp0:
0x20: {  	[tilespmem:s5+$0x14020] =	vst v0;
	(pc) =	sbr.rel @p0 .LBB2_2-.Ltmp0, $3  }
0x21: {  	[tilespmem:s5+$0x14000] =	vst v0  }
0x22: {  	[tilespmem:s5+$0x14010] =	vst v0;
	_ =	sdelay $0x1  }
0x23: {  	s5 =	sshra.s32 s9, $0x2  }
0x24: {  	[tilespmem:s5+$0x14030] =	vst v0  }
0x25: {  	[tilespmem:s5+$0x14020] =	vst v0  }
0x26: {  	[tilespmem:s5+$0x14000] =	vst v0  }
0x27: {  	[tilespmem:s5+$0x14010] =	vst v0  }
0x28: {  	[spmem:s6] =	stream.linear.scatter [tilespmem:s16], [sflag:$0xB], $0x2000, $0x38;
	v63 =	vld [tilespmem:$0x0]  }
0x29: {  	_ =	swait.ge [sflag:s14], $0x2000  }
0x2a: {  	[sflag:s14] =	ssyncset.done $0x0  }
0x2b: {  	[sflag:s14] =	ssyncadd.s32 $0xFFFFE000  }
0x2c: {  	[spmem:s10] =	stream.linear.scatter [tilespmem:s16], [sflag:$0xB], $0x2000, $0x38;
	v63 =	vld [tilespmem:$0x0]  }
0x2d: {  	_ =	swait.ge [sflag:s14], $0x2000  }
0x2e: {  	[sflag:s14] =	ssyncset.done $0x0  }
0x2f: {  	[sflag:s14] =	ssyncadd.s32 $0xFFFFE000  }
0x30: {  	[spmem:s11] =	stream.linear.scatter [tilespmem:s16], [sflag:$0xB], $0x2000, $0x38;
	v63 =	vld [tilespmem:$0x0]  }
0x31: {  	_ =	swait.ge [sflag:s14], $0x2000  }
0x32: {  	[sflag:s14] =	ssyncset.done $0x0  }
0x33: {  	[sflag:s14] =	ssyncadd.s32 $0xFFFFE000  }
0x34: {  	[spmem:s12] =	stream.linear.scatter [tilespmem:s16], [sflag:$0xB], $0x2000, $0x38;
	v63 =	vld [tilespmem:$0x0]  }
0x35: {  	_ =	swait.ge [sflag:s14], $0x2000  }
0x36: {  	[sflag:s14] =	ssyncset.done $0x0  }
0x37: {  	[sflag:s14] =	ssyncadd.s32 $0xFFFFE000  }
0x38: {  	[spmem:s13] =	stream.linear.scatter [tilespmem:s16], [sflag:$0xB], $0x2000, $0x38;
	v63 =	vld [tilespmem:$0x0]  }
0x39: {  	_ =	swait.ge [sflag:s14], $0x2000  }
0x3a: {  	[sflag:s14] =	ssyncset.done $0x0  }
0x3b: {  	[sflag:s14] =	ssyncadd.s32 $0xFFFFE000  }
0x3c: {  	s9 =	simm.s32 $0x0;
	[bflag:$0x0] =	sbarrier.arrive $0xFFFF  }
0x3d: {  	[tilespmem:s18], [sflag:$0x1] =	stream.indirect.gather [hbm4b:s7+s17], $0x40, s9, s17, $0xb8;
	v63 =	vld [tilespmem:$0x0]  }
0x3e: {  	_ = 	snop  }
0x3f: {  	[tilespmem:s19], [sflag:$0x2] =	stream.indirect.gather [hbm4b:s7+s17], $0x40, s17, s17, $0xb8;
	v63 =	vld [tilespmem:$0x0]  }
0x40: {  	s8 =	simm.s32 $0x100  }
0x41: {  	[tilespmem:s21], [sflag:$0x3] =	stream.indirect.gather [hbm4b:s7+s17], $0x40, s8, s17, $0xb8;
	v63 =	vld [tilespmem:$0x0]  }
0x42: {  	s9 =	simm.s32 $0x180  }
0x43: {  	[tilespmem:s23], [sflag:$0x4] =	stream.indirect.gather [hbm4b:s7+s17], $0x40, s9, s17, $0xb8;
	v63 =	vld [tilespmem:$0x0]  }
0x44: {  	s8 =	simm.s32 $0x200  }
0x45: {  	[tilespmem:s26], [sflag:$0x5] =	stream.indirect.gather [hbm4b:s7+s17], $0x40, s8, s17, $0xb8;
	v63 =	vld [tilespmem:$0x0]  }
0x46: {  	_ =	swait.ge [sflag:s28], $0x2000  }
0x47: {  	[sflag:s28] =	ssyncset.done $0x0  }
0x48: {  	s9 =	simm.s32 $0x5000;
	[sflag:s28] =	ssyncadd.s32 $0xFFFFE000  }
0x49: {  	[spmem:s1] =	stream.indirect.scatter.add.f32 [tilespmem:s18], [sflag:$0x6], $0x40, s9, s17, $0xb8;
	v63 =	vld [tilespmem:$0x0]  }
0x4a: {  	_ =	swait.ge [sflag:s29], $0x2000  }
0x4b: {  	[sflag:s29] =	ssyncset.done $0x0  }
0x4c: {  	s8 =	simm.s32 $0x5080;
	[sflag:s29] =	ssyncadd.s32 $0xFFFFE000  }
0x4d: {  	[spmem:s1] =	stream.indirect.scatter.add.f32 [tilespmem:s19], [sflag:$0x7], $0x40, s8, s17, $0xb8;
	v63 =	vld [tilespmem:$0x0]  }
0x4e: {  	_ =	swait.ge [sflag:s30], $0x2000  }
0x4f: {  	[sflag:s30] =	ssyncset.done $0x0  }
0x50: {  	s9 =	simm.s32 $0x5100;
	[sflag:s30] =	ssyncadd.s32 $0xFFFFE000  }
0x51: {  	[spmem:s1] =	stream.indirect.scatter.add.f32 [tilespmem:s21], [sflag:$0x8], $0x40, s9, s17, $0xb8;
	v63 =	vld [tilespmem:$0x0]  }
0x52: {  	_ =	swait.ge [sflag:s31], $0x2000  }
0x53: {  	[sflag:s31] =	ssyncset.done $0x0  }
0x54: {  	s8 =	simm.s32 $0x5180;
	[sflag:s31] =	ssyncadd.s32 $0xFFFFE000  }
0x55: {  	[spmem:s1] =	stream.indirect.scatter.add.f32 [tilespmem:s23], [sflag:$0x9], $0x40, s8, s17, $0xb8;
	v63 =	vld [tilespmem:$0x0]  }
0x56: {  	_ =	swait.ge [sflag:s0], $0x2000  }
0x57: {  	[sflag:s0] =	ssyncset.done $0x0  }
0x58: {  	s9 =	simm.s32 $0x5200;
	[sflag:s0] =	ssyncadd.s32 $0xFFFFE000  }
0x59: {  	[spmem:s1] =	stream.indirect.scatter.add.f32 [tilespmem:s26], [sflag:$0xA], $0x40, s9, s17, $0xb8;
	v63 =	vld [tilespmem:$0x0]  }
0x5a: {  	_ =	swait.ge [sflag:s15], $0x2000  }
0x5b: {  	[sflag:s15] =	ssyncset.done $0x0  }
0x5c: {  	s8 =	simm.s32 $0x280;
	[sflag:s15] =	ssyncadd.s32 $0xFFFFE000  }
0x5d: {  	[tilespmem:s18], [sflag:$0x1] =	stream.indirect.gather [hbm4b:s7+s17], $0x40, s8, s17, $0xb8;
	v63 =	vld [tilespmem:$0x0]  }
0x5e: {  	_ =	swait.ge [sflag:s2], $0x2000  }
0x5f: {  	[sflag:s2] =	ssyncset.done $0x0  }
0x60: {  	s9 =	simm.s32 $0x300;
	[sflag:s2] =	ssyncadd.s32 $0xFFFFE000  }
0x61: {  	[tilespmem:s19], [sflag:$0x2] =	stream.indirect.gather [hbm4b:s7+s17], $0x40, s9, s17, $0xb8;
	v63 =	vld [tilespmem:$0x0]  }
0x62: {  	_ =	swait.ge [sflag:s20], $0x2000  }
0x63: {  	[sflag:s20] =	ssyncset.done $0x0  }
0x64: {  	s8 =	simm.s32 $0x380;
	[sflag:s20] =	ssyncadd.s32 $0xFFFFE000  }
0x65: {  	[tilespmem:s21], [sflag:$0x3] =	stream.indirect.gather [hbm4b:s7+s17], $0x40, s8, s17, $0xb8;
	v63 =	vld [tilespmem:$0x0]  }
0x66: {  	_ =	swait.ge [sflag:s22], $0x2000  }
0x67: {  	[sflag:s22] =	ssyncset.done $0x0  }
0x68: {  	s9 =	simm.s32 $0x400;
	[sflag:s22] =	ssyncadd.s32 $0xFFFFE000  }
0x69: {  	[tilespmem:s23], [sflag:$0x4] =	stream.indirect.gather [hbm4b:s7+s17], $0x40, s9, s17, $0xb8;
	v63 =	vld [tilespmem:$0x0]  }
0x6a: {  	_ =	swait.ge [sflag:s24], $0x2000  }
0x6b: {  	[sflag:s24] =	ssyncset.done $0x0  }
0x6c: {  	s5 =	simm.s32 $0xA00;
	s8 =	simm.s32 $0x480;
	[sflag:s24] =	ssyncadd.s32 $0xFFFFE000  }
.LBB2_4:
0x6d: {  	[tilespmem:s26], [sflag:$0x5] =	stream.indirect.gather [hbm4b:s7+s17], $0x40, s8, s17, $0xb8;
	v63 =	vld [tilespmem:$0x0]  }
0x6e: {  	s8 =	smov.u32 s5  }
0x6f: {  	p0 =	sne.s32 s5, $0x12C00;
	s5 =	sadd.s32 $0xA00, s5;
	_ =	swait.ge [sflag:s28], $0x2000  }
0x70: {  	s8 =	sshra.s32 s8, $0x2;
	[sflag:s28] =	ssyncset.done $0x0  }
0x71: {  	s9 =	sadd.s32 $0x5000, s8;
	[sflag:s28] =	ssyncadd.s32 $0xFFFFE000  }
0x72: {  	[spmem:s1] =	stream.indirect.scatter.add.f32 [tilespmem:s18], [sflag:$0x6], $0x40, s9, s17, $0xb8;
	v63 =	vld [tilespmem:$0x0]  }
0x73: {  	_ =	swait.ge [sflag:s29], $0x2000  }
0x74: {  	[sflag:s29] =	ssyncset.done $0x0  }
0x75: {  	s9 =	sadd.s32 $0x5080, s8;
	[sflag:s29] =	ssyncadd.s32 $0xFFFFE000  }
0x76: {  	[spmem:s1] =	stream.indirect.scatter.add.f32 [tilespmem:s19], [sflag:$0x7], $0x40, s9, s17, $0xb8;
	v63 =	vld [tilespmem:$0x0]  }
0x77: {  	_ =	swait.ge [sflag:s30], $0x2000  }
0x78: {  	[sflag:s30] =	ssyncset.done $0x0  }
0x79: {  	s9 =	sadd.s32 $0x5100, s8;
	[sflag:s30] =	ssyncadd.s32 $0xFFFFE000  }
0x7a: {  	[spmem:s1] =	stream.indirect.scatter.add.f32 [tilespmem:s21], [sflag:$0x8], $0x40, s9, s17, $0xb8;
	v63 =	vld [tilespmem:$0x0]  }
0x7b: {  	_ =	swait.ge [sflag:s31], $0x2000  }
0x7c: {  	[sflag:s31] =	ssyncset.done $0x0  }
0x7d: {  	s9 =	sadd.s32 $0x5180, s8;
	[sflag:s31] =	ssyncadd.s32 $0xFFFFE000  }
0x7e: {  	[spmem:s1] =	stream.indirect.scatter.add.f32 [tilespmem:s23], [sflag:$0x9], $0x40, s9, s17, $0xb8;
	v63 =	vld [tilespmem:$0x0]  }
0x7f: {  	_ =	swait.ge [sflag:s0], $0x2000  }
0x80: {  	[sflag:s0] =	ssyncset.done $0x0  }
0x81: {  	s9 =	sadd.s32 $0x5200, s8;
	[sflag:s0] =	ssyncadd.s32 $0xFFFFE000  }
0x82: {  	[spmem:s1] =	stream.indirect.scatter.add.f32 [tilespmem:s26], [sflag:$0xA], $0x40, s9, s17, $0xb8;
	v63 =	vld [tilespmem:$0x0]  }
0x83: {  	_ =	swait.ge [sflag:s15], $0x2000  }
0x84: {  	[sflag:s15] =	ssyncset.done $0x0  }
0x85: {  	s9 =	sadd.s32 $0x280, s8;
	[sflag:s15] =	ssyncadd.s32 $0xFFFFE000  }
0x86: {  	[tilespmem:s18], [sflag:$0x1] =	stream.indirect.gather [hbm4b:s7+s17], $0x40, s9, s17, $0xb8;
	v63 =	vld [tilespmem:$0x0]  }
0x87: {  	_ =	swait.ge [sflag:s2], $0x2000  }
0x88: {  	[sflag:s2] =	ssyncset.done $0x0  }
0x89: {  	s9 =	sadd.s32 $0x300, s8;
	[sflag:s2] =	ssyncadd.s32 $0xFFFFE000  }
0x8a: {  	[tilespmem:s19], [sflag:$0x2] =	stream.indirect.gather [hbm4b:s7+s17], $0x40, s9, s17, $0xb8;
	v63 =	vld [tilespmem:$0x0]  }
0x8b: {  	_ =	swait.ge [sflag:s20], $0x2000  }
0x8c: {  	[sflag:s20] =	ssyncset.done $0x0  }
0x8d: {  	s9 =	sadd.s32 $0x380, s8;
	[sflag:s20] =	ssyncadd.s32 $0xFFFFE000  }
0x8e: {  	[tilespmem:s21], [sflag:$0x3] =	stream.indirect.gather [hbm4b:s7+s17], $0x40, s9, s17, $0xb8;
	v63 =	vld [tilespmem:$0x0]  }
0x8f: {  	_ =	swait.ge [sflag:s22], $0x2000  }
0x90: {  	[sflag:s22] =	ssyncset.done $0x0  }
.Ltmp1:
0x91: {  	s9 =	sadd.s32 $0x400, s8;
	[sflag:s22] =	ssyncadd.s32 $0xFFFFE000;
	(pc) =	sbr.rel @p0 .LBB2_4-.Ltmp1, $4  }
0x92: {  	[tilespmem:s23], [sflag:$0x4] =	stream.indirect.gather [hbm4b:s7+s17], $0x40, s9, s17, $0xb8;
	v63 =	vld [tilespmem:$0x0]  }
0x93: {  	_ =	swait.ge [sflag:s24], $0x2000  }
0x94: {  	[sflag:s24] =	ssyncset.done $0x0  }
0x95: {  	s8 =	sadd.s32 $0x480, s8;
	[sflag:s24] =	ssyncadd.s32 $0xFFFFE000  }
0x96: {  	[tilespmem:s26], [sflag:$0x5] =	stream.indirect.gather [hbm4b:s7+s17], $0x40, s8, s17, $0xb8;
	v63 =	vld [tilespmem:$0x0]  }
0x97: {  	_ =	swait.ge [sflag:s28], $0x2000  }
0x98: {  	[sflag:s28] =	ssyncset.done $0x0  }
0x99: {  	s5 =	simm.s32 $0x9D80;
	[sflag:s28] =	ssyncadd.s32 $0xFFFFE000  }
0x9a: {  	[spmem:s1] =	stream.indirect.scatter.add.f32 [tilespmem:s18], [sflag:$0x6], $0x40, s5, s17, $0xb8;
	v63 =	vld [tilespmem:$0x0]  }
0x9b: {  	_ =	swait.ge [sflag:s29], $0x2000  }
0x9c: {  	[sflag:s29] =	ssyncset.done $0x0  }
0x9d: {  	s8 =	simm.s32 $0x9E00;
	[sflag:s29] =	ssyncadd.s32 $0xFFFFE000  }
0x9e: {  	[spmem:s1] =	stream.indirect.scatter.add.f32 [tilespmem:s19], [sflag:$0x7], $0x40, s8, s17, $0xb8;
	v63 =	vld [tilespmem:$0x0]  }
0x9f: {  	_ =	swait.ge [sflag:s30], $0x2000  }
0xa0: {  	[sflag:s30] =	ssyncset.done $0x0  }
0xa1: {  	s9 =	simm.s32 $0x9E80;
	[sflag:s30] =	ssyncadd.s32 $0xFFFFE000  }
0xa2: {  	[spmem:s1] =	stream.indirect.scatter.add.f32 [tilespmem:s21], [sflag:$0x8], $0x40, s9, s17, $0xb8;
	v63 =	vld [tilespmem:$0x0]  }
0xa3: {  	_ =	swait.ge [sflag:s31], $0x2000  }
0xa4: {  	[sflag:s31] =	ssyncset.done $0x0  }
0xa5: {  	s8 =	simm.s32 $0x9F00;
	[sflag:s31] =	ssyncadd.s32 $0xFFFFE000  }
0xa6: {  	[spmem:s1] =	stream.indirect.scatter.add.f32 [tilespmem:s23], [sflag:$0x9], $0x40, s8, s17, $0xb8;
	v63 =	vld [tilespmem:$0x0]  }
0xa7: {  	_ =	swait.ge [sflag:s0], $0x2000  }
0xa8: {  	[sflag:s0] =	ssyncset.done $0x0  }
0xa9: {  	s9 =	simm.s32 $0x9F80;
	[sflag:s0] =	ssyncadd.s32 $0xFFFFE000  }
0xaa: {  	[spmem:s1] =	stream.indirect.scatter.add.f32 [tilespmem:s26], [sflag:$0xA], $0x40, s9, s17, $0xb8;
	v63 =	vld [tilespmem:$0x0]  }
0xab: {  	_ =	swait.ge [sflag:s15], $0x2000  }
0xac: {  	[sflag:s15] =	ssyncset.done $0x0  }
0xad: {  	[sflag:s15] =	ssyncadd.s32 $0xFFFFE000  }
0xae: {  	_ =	swait.ge [sflag:s2], $0x2000  }
0xaf: {  	[sflag:s2] =	ssyncset.done $0x0  }
0xb0: {  	[sflag:s2] =	ssyncadd.s32 $0xFFFFE000  }
0xb1: {  	_ =	swait.ge [sflag:s20], $0x2000  }
0xb2: {  	[sflag:s20] =	ssyncset.done $0x0  }
0xb3: {  	[sflag:s20] =	ssyncadd.s32 $0xFFFFE000  }
0xb4: {  	_ =	swait.ge [sflag:s22], $0x2000  }
0xb5: {  	[sflag:s22] =	ssyncset.done $0x0  }
0xb6: {  	[sflag:s22] =	ssyncadd.s32 $0xFFFFE000  }
0xb7: {  	_ =	swait.ge [sflag:s24], $0x2000  }
0xb8: {  	[sflag:s24] =	ssyncset.done $0x0  }
0xb9: {  	s8 =	stileid.u32;
	[sflag:s24] =	ssyncadd.s32 $0xFFFFE000  }
0xba: {  	s5 =	sshll.u32 s8, $0x6;
	[bflag:$0x0] =	sbarrier.arrive $0xFFFF  }
0xbb: {  	s5 =	sor.u32 $0x1C0B, s5;
	s9 =	rddreg [dreg:$0x5]  }
0xbc: {  	[hbm:s9], [sflag:s5] =	dma.local [spmem:s25], $0x1400  }
0xbd: {  	_ =	swait.ge [sflag:s14], $0x1400  }
0xbe: {  	s3 =	sadd.s32 $0x1, s3;
	s9 =	rddreg [dreg:$0x6]  }
0xbf: {  	p0 =	sne.s32 s3, s9  }
.Ltmp2:
0xc0: {  	_ = 	snop;
	(pc) =	sbr.rel @p0 .LBB2_1-.Ltmp2, $3  }
0xc1: {  	_ =	sdelay $0x1  }
0xc2: {  	[sflag:s14] =	ssyncset.done $0x0  }
0xc3: {  	[sflag:s14] =	ssyncadd.s32 $0xFFFFEC00  }
0xc4: {  	_ =	sfence.sel $0x180000  }
0xc5: {  	[bflag:$0x0] =	sbarrier.arrive $0xFFFF  }
0xc6: {  	_ =	strace $0x9000004A  }
0xc7: {  	s0 =	stileid.u32;
	[bflag:$0x2] =	sbarrier.arrive $0xFFFF  }
0xc8: {  	p0 =	sne.s32 s0, $0x0;
	s0 =	rddreg [dreg:$0x3]  }
0xc9: {  	s0 =	sadd.s32 @!p0 $0x100000, s0  }
0xca: {  	[sflag:s0] =	ssyncadd.tile.s32 @!p0 $0x1;
	_ =	shalt  }
.Lfunc_end2:
_tile_overlayer_lowered:
.L_overlay_start_2:
0xcb: {  	(tag) =	ssettag $0x2  }
0xcc: {  	s0 =	rddreg [dreg:$0x0];
	s2 =	stileid.u32  }
0xcd: {  	s1 =	rddreg [dreg:$0x1];
	p0 =	sne.s32 s2, $0x0  }
0xce: {  	s3 =	rddreg [dreg:$0x2];
	[bflag:$0x3] =	sbarrier.arrive $0xFFFF;
	s2 =	simm.s32 @!p0 $0x1C0B  }
0xcf: {  	[timem:s3], [sflag:s2] =	dma.local @!p0 [hbm:s0], s1  }
0xd0: {  	s0 =	simm.s32 @!p0 $0xB  }
0xd1: {  	_ =	swait.ge @!p0 [sflag:s0], s1  }
0xd2: {  	s1 =	ssub.s32 @!p0 $0x0, s1;
	[sflag:s0] =	ssyncset.done @!p0 $0x0  }
0xd3: {  	[sflag:s0] =	ssyncadd.s32 @!p0 s1  }
0xd4: {  	[bflag:$0x3] =	sbarrier.arrive $0xFFFF  }
0xd5: {  	_ =	shalt  }

</sc_bundles>
